<compile_context>
chip_gen: v7x
topology: tpu7x:2x2x1
jax: 0.10.2.dev20260603
libtpu: 0.0.44.dev20260713+nightly
codegen_flags: <defaults>
</compile_context>

<pallas_src>
import functools

import jax
import jax.numpy as jnp
from jax import lax
from jax.experimental import pallas as pl
from jax.experimental.pallas import tpu as pltpu
from jax.experimental.pallas import tpu_sc as plsc

_B = 16384
_C = 26
_V = 100000
_D = 50
_DP = 128
_H = _C * _D
_HP = _C * _DP
_EPS = 1e-5

_NC = 2
_NS = 16
_NW = _NC * _NS
_IW = 128
_K = 2
_SLOT = _K * _IW
_IPW = (_B * _C) // _NW
_NCH = _IPW // _SLOT


def _sc_gather(tab128, idx2d):
    mesh = plsc.VectorSubcoreMesh(
        core_axis_name="c", subcore_axis_name="s",
        num_cores=_NC, num_subcores=_NS)

    @functools.partial(
        pl.kernel,
        out_type=jax.ShapeDtypeStruct((_B * _C, _DP), jnp.float32),
        mesh=mesh,
        compiler_params=pltpu.CompilerParams(use_tc_tiling_on_sc=True),
        scratch_types=[
            pltpu.VMEM((_NCH * _K, _IW), jnp.int32),
            pltpu.VMEM((_SLOT, _DP), jnp.float32),
            pltpu.VMEM((_SLOT, _DP), jnp.float32),
            pltpu.SemaphoreType.DMA,
            pltpu.SemaphoreType.DMA,
        ],
    )
    def gather_k(tab_hbm, idx_hbm, out_hbm, idx_v, buf0, buf1,
                 isem0, isem1):
        wid = lax.axis_index("s") * _NC + lax.axis_index("c")
        pltpu.sync_copy(idx_hbm.at[pl.ds(wid * _NCH * _K, _NCH * _K)], idx_v)
        row0 = wid * _IPW
        bufs = (buf0, buf1)
        isems = (isem0, isem1)

        def fire(j, buf, isem):
            for kk in range(_K):
                pltpu.make_async_copy(
                    tab_hbm.at[idx_v.at[j * _K + kk]],
                    buf.at[pl.ds(kk * _IW, _IW)], isem).start()

        def wait_in(buf, isem):
            pltpu.make_async_copy(
                tab_hbm.at[pl.ds(0, _SLOT)], buf, isem).wait()

        fire(0, buf0, isem0)
        fire(1, buf1, isem1)

        def body(t, carry):
            for b in range(2):
                j = 2 * t + b
                buf, isem = bufs[b], isems[b]
                wait_in(buf, isem)
                pltpu.sync_copy(
                    buf, out_hbm.at[pl.ds(row0 + j * _SLOT, _SLOT)])

                @pl.when(j + 2 < _NCH)
                def _():
                    fire(j + 2, buf, isem)
            return carry

        lax.fori_loop(0, _NCH // 2, body, 0)

    return gather_k(tab128, idx2d)


def _stats(x, n_feat, blk):
    nblk = _B // blk

    def body(x_ref, s_ref):
        @pl.when(pl.program_id(0) == 0)
        def _():
            s_ref[:, :] = jnp.zeros_like(s_ref)
        xb = x_ref[:, :]
        s_ref[0:1, :] += jnp.sum(xb, axis=0, keepdims=True)
        s_ref[1:2, :] += jnp.sum(xb * xb, axis=0, keepdims=True)

    return pl.pallas_call(
        body,
        grid=(nblk,),
        in_specs=[pl.BlockSpec((blk, n_feat), lambda i: (i, 0))],
        out_specs=pl.BlockSpec((2, n_feat), lambda i: (0, 0)),
        out_shape=jax.ShapeDtypeStruct((2, n_feat), jnp.float32),
    )(x)


def _bn_matmul_relu(x, stats, gamma, beta, wt, b, n_in, n_out, blk):
    nblk = _B // blk
    inv_b = 1.0 / _B

    def body(x_ref, s_ref, g_ref, be_ref, w_ref, b_ref, y_ref, s2_ref):
        mu = s_ref[0:1, :] * inv_b
        var = s_ref[1:2, :] * inv_b - mu * mu
        scale = lax.rsqrt(var + _EPS) * g_ref[0:1, :]
        xn = (x_ref[:, :] - mu) * scale + be_ref[0:1, :]
        z = jnp.dot(xn, w_ref[:, :], preferred_element_type=jnp.float32)
        y = jnp.maximum(z + b_ref[0:1, :], 0.0)
        y_ref[:, :] = y

        @pl.when(pl.program_id(0) == 0)
        def _():
            s2_ref[:, :] = jnp.zeros_like(s2_ref)
        s2_ref[0:1, :] += jnp.sum(y, axis=0, keepdims=True)
        s2_ref[1:2, :] += jnp.sum(y * y, axis=0, keepdims=True)

    return pl.pallas_call(
        body,
        grid=(nblk,),
        in_specs=[
            pl.BlockSpec((blk, n_in), lambda i: (i, 0)),
            pl.BlockSpec((2, n_in), lambda i: (0, 0)),
            pl.BlockSpec((1, n_in), lambda i: (0, 0)),
            pl.BlockSpec((1, n_in), lambda i: (0, 0)),
            pl.BlockSpec((n_in, n_out), lambda i: (0, 0)),
            pl.BlockSpec((1, n_out), lambda i: (0, 0)),
        ],
        out_specs=[
            pl.BlockSpec((blk, n_out), lambda i: (i, 0)),
            pl.BlockSpec((2, n_out), lambda i: (0, 0)),
        ],
        out_shape=[
            jax.ShapeDtypeStruct((_B, n_out), jnp.float32),
            jax.ShapeDtypeStruct((2, n_out), jnp.float32),
        ],
    )(x, stats, gamma, beta, wt, b)


def _bn_head_softmax(x, stats, gamma, beta, wt, b, n_in, blk):
    nblk = _B // blk
    inv_b = 1.0 / _B

    def body(x_ref, s_ref, g_ref, be_ref, w_ref, b_ref, y_ref):
        mu = s_ref[0:1, :] * inv_b
        var = s_ref[1:2, :] * inv_b - mu * mu
        scale = lax.rsqrt(var + _EPS) * g_ref[0:1, :]
        xn = (x_ref[:, :] - mu) * scale + be_ref[0:1, :]
        z = jnp.dot(xn, w_ref[:, :], preferred_element_type=jnp.float32)
        z = z + b_ref[0:1, :]
        m = jnp.max(z, axis=1, keepdims=True)
        e = jnp.exp(z - m)
        y_ref[:, :] = e / jnp.sum(e, axis=1, keepdims=True)

    return pl.pallas_call(
        body,
        grid=(nblk,),
        in_specs=[
            pl.BlockSpec((blk, n_in), lambda i: (i, 0)),
            pl.BlockSpec((2, n_in), lambda i: (0, 0)),
            pl.BlockSpec((1, n_in), lambda i: (0, 0)),
            pl.BlockSpec((1, n_in), lambda i: (0, 0)),
            pl.BlockSpec((n_in, 2), lambda i: (0, 0)),
            pl.BlockSpec((1, 2), lambda i: (0, 0)),
        ],
        out_specs=pl.BlockSpec((blk, 2), lambda i: (i, 0)),
        out_shape=jax.ShapeDtypeStruct((_B, 2), jnp.float32),
    )(x, stats, gamma, beta, wt, b)


def _pad_feat(v):
    return jnp.pad(v.reshape(_C, _D), ((0, 0), (0, _DP - _D))).reshape(_HP)


def kernel(indices, tables, gamma1, beta1, W2, b2, gamma2, beta2,
           W3, b3, gamma3, beta3, W4, b4):
    flat_idx = (indices.astype(jnp.int32)
                + jnp.arange(_C, dtype=jnp.int32)[None, :] * _V)
    idx2d = flat_idx.reshape(_NW * _NCH * _K, _IW)

    tab128 = jnp.pad(tables, ((0, 0), (0, 0), (0, _DP - _D))).reshape(
        _C * _V, _DP)
    emb = _sc_gather(tab128, idx2d).reshape(_B, _HP)

    g1p = _pad_feat(gamma1).reshape(1, _HP)
    b1p = _pad_feat(beta1).reshape(1, _HP)
    w2p = jnp.pad(W2.T.reshape(_C, _D, 300),
                  ((0, 0), (0, _DP - _D), (0, 0))).reshape(_HP, 300)

    stats1 = _stats(emb, _HP, 1024)
    y2, stats2 = _bn_matmul_relu(
        emb, stats1, g1p, b1p, w2p, b2.reshape(1, 300), _HP, 300, 1024)
    y3, stats3 = _bn_matmul_relu(
        y2, stats2, gamma2.reshape(1, 300), beta2.reshape(1, 300),
        W3.T, b3.reshape(1, 300), 300, 300, 2048)
    return _bn_head_softmax(
        y3, stats3, gamma3.reshape(1, 300), beta3.reshape(1, 300),
        W4.T, b4.reshape(1, 2), 300, 2048)

# --- scband reference (transcript-rebuilt; emitter-appended) ---
"""Pipeline reference for scband-entity-embed-62826781606139 (READ-ONLY COPY).

The authoritative reference and input builder live on the scoring server;
editing this copy changes nothing except your own understanding.
"""

import jax, jax.numpy as jnp
import numpy as np

B = 16384
C = 26
V = 100000
D = 50
H = C * D  # 1300
EPS = 1e-5


def setup_inputs(seed: int = 0) -> dict:
    key = jax.random.key(seed)
    ks = jax.random.split(key, 12)
    indices = jax.random.randint(ks[0], (B, C), 0, V)
    tables = jax.random.normal(ks[1], (C, V, D), dtype=jnp.float32)
    gamma1 = jnp.ones((H,), jnp.float32)
    beta1 = jnp.zeros((H,), jnp.float32)
    W2 = jax.random.normal(ks[2], (300, H), dtype=jnp.float32) * np.sqrt(2.0 / H)
    b2 = jnp.zeros((300,), jnp.float32)
    gamma2 = jnp.ones((300,), jnp.float32)
    beta2 = jnp.zeros((300,), jnp.float32)
    W3 = jax.random.normal(ks[3], (300, 300), dtype=jnp.float32) * np.sqrt(2.0 / 300)
    b3 = jnp.zeros((300,), jnp.float32)
    gamma3 = jnp.ones((300,), jnp.float32)
    beta3 = jnp.zeros((300,), jnp.float32)
    W4 = jax.random.normal(ks[4], (2, 300), dtype=jnp.float32) * np.sqrt(2.0 / 300)
    b4 = jnp.zeros((2,), jnp.float32)
    return {
        "indices": indices, "tables": tables,
        "gamma1": gamma1, "beta1": beta1,
        "W2": W2, "b2": b2, "gamma2": gamma2, "beta2": beta2,
        "W3": W3, "b3": b3, "gamma3": gamma3, "beta3": beta3,
        "W4": W4, "b4": b4,
    }


def _bn(x, gamma, beta):
    mu = jnp.mean(x, axis=0, keepdims=True)
    var = jnp.var(x, axis=0, keepdims=True)
    return (x - mu) / jnp.sqrt(var + EPS) * gamma + beta


def reference(indices, tables, gamma1, beta1, W2, b2, gamma2, beta2, W3, b3, gamma3, beta3, W4, b4):
    # per-column embedding lookup then concat along feature dim
    emb = jax.vmap(lambda t, idx: jnp.take(t, idx, axis=0), in_axes=(0, 1), out_axes=1)(tables, indices)
    out = emb.reshape(emb.shape[0], -1)  # [B, 1300]
    out = _bn(out, gamma1, beta1)
    # dropout is identity in deterministic reference
    out = jax.nn.relu(out @ W2.T + b2)
    out = _bn(out, gamma2, beta2)
    out = jax.nn.relu(out @ W3.T + b3)
    out = _bn(out, gamma3, beta3)
    logits = out @ W4.T + b4
    return jax.nn.softmax(logits, axis=1)

if __name__ == "__main__":
    import jax
    _d = setup_inputs()
    print(jax.jit(kernel)(*tuple(_d.values())))

</pallas_src>

<mosaic_0001>
#map = affine_map<(d0, d1) -> (0, 0)>
module attributes {stable_mosaic.version = 14 : i64} {
  func.func @gather_k(%arg0: i32, %arg1: i32, %arg2: memref<2600000x128xf32, #tpu.memory_space<hbm>>, %arg3: memref<3328x128xi32, #tpu.memory_space<hbm>>, %arg4: memref<425984x128xf32, #tpu.memory_space<hbm>>, %arg5: memref<104x128xi32, #tpu.memory_space<vmem>>, %arg6: memref<256x128xf32, #tpu.memory_space<vmem>>, %arg7: memref<256x128xf32, #tpu.memory_space<vmem>>, %arg8: memref<!tpu.dma_semaphore, #tpu.memory_space<semaphore_mem>>, %arg9: memref<!tpu.dma_semaphore, #tpu.memory_space<semaphore_mem>>) attributes {dimension_semantics = [#tpu.dimension_semantics<core_parallel>, #tpu.dimension_semantics<subcore_parallel>], iteration_bounds = array<i64: 2, 16>, scalar_prefetch = 0 : i64, scratch_operands = 5 : i64, tpu.core_type = #tpu.core_type<sc_vector_subcore>, window_params = [{transform_indices = #map}, {transform_indices = #map}, {transform_indices = #map}]} {
    %mul3A = arith.constant 2 : i32
    %mul3A_0 = arith.muli %arg1, %mul3A : i32
    %add3A = arith.addi %mul3A_0, %arg0 : i32
    %mul3A_1 = arith.constant 52 : i32
    %mul3A_2 = arith.muli %add3A, %mul3A_1 : i32
    %mul3A_3 = arith.constant 2 : i32
    %mul3A_4 = arith.muli %mul3A_2, %mul3A_3 : i32
    "tpu.region"() ({
      %run_scoped3A = tpu.sem_alloc : memref<!tpu.dma_semaphore, #tpu.memory_space<semaphore_mem>>
      %dma_start3A_51 = arith.constant 0 : i32
      %dma_start3A_52 = tpu.memref_slice %arg3[%mul3A_4, %dma_start3A_51] : memref<3328x128xi32, #tpu.memory_space<hbm>> -> memref<104x128xi32, #tpu.memory_space<hbm>>
      %dma_start3A_53 = arith.constant 0 : i32
      %dma_start3A_54 = tpu.memref_slice %arg3[%mul3A_4, %dma_start3A_53] : memref<3328x128xi32, #tpu.memory_space<hbm>> -> memref<104x128xi32, #tpu.memory_space<hbm>>
      tpu.enqueue_dma source(%dma_start3A_54 : memref<104x128xi32, #tpu.memory_space<hbm>>) target(%arg5 : memref<104x128xi32, #tpu.memory_space<vmem>>) target_semaphore(%run_scoped3A : memref<!tpu.dma_semaphore, #tpu.memory_space<semaphore_mem>>)
      %dma_wait3A = arith.constant 0 : i32
      %dma_wait3A_55 = tpu.memref_slice %arg3[%mul3A_4, %dma_wait3A] : memref<3328x128xi32, #tpu.memory_space<hbm>> -> memref<104x128xi32, #tpu.memory_space<hbm>>
      %dma_wait3A_56 = arith.constant 0 : i32
      %dma_wait3A_57 = tpu.memref_slice %arg3[%mul3A_4, %dma_wait3A_56] : memref<3328x128xi32, #tpu.memory_space<hbm>> -> memref<104x128xi32, #tpu.memory_space<hbm>>
      tpu.wait_dma2 semaphore(%run_scoped3A : memref<!tpu.dma_semaphore, #tpu.memory_space<semaphore_mem>>) src(%dma_wait3A_57 : memref<104x128xi32, #tpu.memory_space<hbm>>) dst(%arg5 : memref<104x128xi32, #tpu.memory_space<vmem>>)
      tpu.yield
    }) : () -> ()
    %mul3A_5 = arith.constant 13312 : i32
    %mul3A_6 = arith.muli %add3A, %mul3A_5 : i32
    %dma_start3A = arith.constant 0 : i32
    %dma_start3A_7 = arith.constant 0 : i32
    %dma_start3A_8 = arith.constant 0 : i32
    %dma_start3A_9 = tpu.memref_slice %arg6[%dma_start3A_7, %dma_start3A_8] : memref<256x128xf32, #tpu.memory_space<vmem>> -> memref<128x128xf32, #tpu.memory_space<vmem>>
    %dma_start3A_10 = arith.constant 0 : i32
    %dma_start3A_11 = tpu.memref_slice %arg5[%dma_start3A, %dma_start3A_10] : memref<104x128xi32, #tpu.memory_space<vmem>> -> memref<1x128xi32, #tpu.memory_space<vmem>>
    %dma_start3A_12 = tpu.memref_squeeze %dma_start3A_11 : memref<1x128xi32, #tpu.memory_space<vmem>> -> memref<128xi32, #tpu.memory_space<vmem>>
    %dma_start3A_13 = arith.constant 0 : i32
    %dma_start3A_14 = arith.constant 0 : i32
    %dma_start3A_15 = tpu.memref_slice %arg2[%dma_start3A_13, %dma_start3A_14] : memref<2600000x128xf32, #tpu.memory_space<hbm>> -> memref<2600000x128xf32, #tpu.memory_space<hbm>>
    tpu.enqueue_indirect_dma source(%dma_start3A_15 : memref<2600000x128xf32, #tpu.memory_space<hbm>>) target(%dma_start3A_9 : memref<128x128xf32, #tpu.memory_space<vmem>>) offsets(%dma_start3A_12 : memref<128xi32, #tpu.memory_space<vmem>>) semaphore(%arg8 : memref<!tpu.dma_semaphore, #tpu.memory_space<semaphore_mem>>)
    %dma_start3A_16 = arith.constant 1 : i32
    %dma_start3A_17 = arith.constant 128 : i32
    %dma_start3A_18 = arith.constant 0 : i32
    %dma_start3A_19 = tpu.memref_slice %arg6[%dma_start3A_17, %dma_start3A_18] : memref<256x128xf32, #tpu.memory_space<vmem>> -> memref<128x128xf32, #tpu.memory_space<vmem>>
    %dma_start3A_20 = arith.constant 0 : i32
    %dma_start3A_21 = tpu.memref_slice %arg5[%dma_start3A_16, %dma_start3A_20] : memref<104x128xi32, #tpu.memory_space<vmem>> -> memref<1x128xi32, #tpu.memory_space<vmem>>
    %dma_start3A_22 = tpu.memref_squeeze %dma_start3A_21 : memref<1x128xi32, #tpu.memory_space<vmem>> -> memref<128xi32, #tpu.memory_space<vmem>>
    %dma_start3A_23 = arith.constant 0 : i32
    %dma_start3A_24 = arith.constant 0 : i32
    %dma_start3A_25 = tpu.memref_slice %arg2[%dma_start3A_23, %dma_start3A_24] : memref<2600000x128xf32, #tpu.memory_space<hbm>> -> memref<2600000x128xf32, #tpu.memory_space<hbm>>
    tpu.enqueue_indirect_dma source(%dma_start3A_25 : memref<2600000x128xf32, #tpu.memory_space<hbm>>) target(%dma_start3A_19 : memref<128x128xf32, #tpu.memory_space<vmem>>) offsets(%dma_start3A_22 : memref<128xi32, #tpu.memory_space<vmem>>) semaphore(%arg8 : memref<!tpu.dma_semaphore, #tpu.memory_space<semaphore_mem>>)
    %dma_start3A_26 = arith.constant 2 : i32
    %dma_start3A_27 = arith.constant 0 : i32
    %dma_start3A_28 = arith.constant 0 : i32
    %dma_start3A_29 = tpu.memref_slice %arg7[%dma_start3A_27, %dma_start3A_28] : memref<256x128xf32, #tpu.memory_space<vmem>> -> memref<128x128xf32, #tpu.memory_space<vmem>>
    %dma_start3A_30 = arith.constant 0 : i32
    %dma_start3A_31 = tpu.memref_slice %arg5[%dma_start3A_26, %dma_start3A_30] : memref<104x128xi32, #tpu.memory_space<vmem>> -> memref<1x128xi32, #tpu.memory_space<vmem>>
    %dma_start3A_32 = tpu.memref_squeeze %dma_start3A_31 : memref<1x128xi32, #tpu.memory_space<vmem>> -> memref<128xi32, #tpu.memory_space<vmem>>
    %dma_start3A_33 = arith.constant 0 : i32
    %dma_start3A_34 = arith.constant 0 : i32
    %dma_start3A_35 = tpu.memref_slice %arg2[%dma_start3A_33, %dma_start3A_34] : memref<2600000x128xf32, #tpu.memory_space<hbm>> -> memref<2600000x128xf32, #tpu.memory_space<hbm>>
    tpu.enqueue_indirect_dma source(%dma_start3A_35 : memref<2600000x128xf32, #tpu.memory_space<hbm>>) target(%dma_start3A_29 : memref<128x128xf32, #tpu.memory_space<vmem>>) offsets(%dma_start3A_32 : memref<128xi32, #tpu.memory_space<vmem>>) semaphore(%arg9 : memref<!tpu.dma_semaphore, #tpu.memory_space<semaphore_mem>>)
    %dma_start3A_36 = arith.constant 3 : i32
    %dma_start3A_37 = arith.constant 128 : i32
    %dma_start3A_38 = arith.constant 0 : i32
    %dma_start3A_39 = tpu.memref_slice %arg7[%dma_start3A_37, %dma_start3A_38] : memref<256x128xf32, #tpu.memory_space<vmem>> -> memref<128x128xf32, #tpu.memory_space<vmem>>
    %dma_start3A_40 = arith.constant 0 : i32
    %dma_start3A_41 = tpu.memref_slice %arg5[%dma_start3A_36, %dma_start3A_40] : memref<104x128xi32, #tpu.memory_space<vmem>> -> memref<1x128xi32, #tpu.memory_space<vmem>>
    %dma_start3A_42 = tpu.memref_squeeze %dma_start3A_41 : memref<1x128xi32, #tpu.memory_space<vmem>> -> memref<128xi32, #tpu.memory_space<vmem>>
    %dma_start3A_43 = arith.constant 0 : i32
    %dma_start3A_44 = arith.constant 0 : i32
    %dma_start3A_45 = tpu.memref_slice %arg2[%dma_start3A_43, %dma_start3A_44] : memref<2600000x128xf32, #tpu.memory_space<hbm>> -> memref<2600000x128xf32, #tpu.memory_space<hbm>>
    tpu.enqueue_indirect_dma source(%dma_start3A_45 : memref<2600000x128xf32, #tpu.memory_space<hbm>>) target(%dma_start3A_39 : memref<128x128xf32, #tpu.memory_space<vmem>>) offsets(%dma_start3A_42 : memref<128xi32, #tpu.memory_space<vmem>>) semaphore(%arg9 : memref<!tpu.dma_semaphore, #tpu.memory_space<semaphore_mem>>)
    %scan3A = arith.constant 0 : i32
    %scan3A_46 = arith.constant 0 : i32
    %scan3A_47 = arith.constant 26 : i32
    %scan3A_48 = arith.addi %scan3A_46, %scan3A_47 : i32
    %scan3A_49 = arith.constant 1 : i32
    scf.for %scan3A_51 = %scan3A_46 to %scan3A_48 step %scan3A_49  : i32 {
      %mul3A_52 = arith.constant 2 : i32
      %mul3A_53 = arith.muli %mul3A_52, %scan3A_51 : i32
      %add3A_54 = arith.constant 0 : i32
      %add3A_55 = arith.addi %mul3A_53, %add3A_54 : i32
      %dma_wait3A = arith.constant 0 : i32
      %dma_wait3A_56 = arith.constant 0 : i32
      %dma_wait3A_57 = tpu.memref_slice %arg2[%dma_wait3A, %dma_wait3A_56] : memref<2600000x128xf32, #tpu.memory_space<hbm>> -> memref<256x128xf32, #tpu.memory_space<hbm>>
      %dma_wait3A_58 = arith.constant 0 : i32
      %dma_wait3A_59 = arith.constant 0 : i32
      %dma_wait3A_60 = tpu.memref_slice %arg2[%dma_wait3A_58, %dma_wait3A_59] : memref<2600000x128xf32, #tpu.memory_space<hbm>> -> memref<256x128xf32, #tpu.memory_space<hbm>>
      tpu.wait_dma2 semaphore(%arg8 : memref<!tpu.dma_semaphore, #tpu.memory_space<semaphore_mem>>) src(%dma_wait3A_60 : memref<256x128xf32, #tpu.memory_space<hbm>>) dst(%arg6 : memref<256x128xf32, #tpu.memory_space<vmem>>)
      %mul3A_61 = arith.constant 256 : i32
      %mul3A_62 = arith.muli %add3A_55, %mul3A_61 : i32
      %add3A_63 = arith.addi %mul3A_6, %mul3A_62 : i32
      "tpu.region"() ({
        %run_scoped3A = tpu.sem_alloc : memref<!tpu.dma_semaphore, #tpu.memory_space<semaphore_mem>>
        %dma_start3A_88 = arith.constant 0 : i32
        %dma_start3A_89 = tpu.memref_slice %arg4[%add3A_63, %dma_start3A_88] : memref<425984x128xf32, #tpu.memory_space<hbm>> -> memref<256x128xf32, #tpu.memory_space<hbm>>
        %dma_start3A_90 = arith.constant 0 : i32
        %dma_start3A_91 = tpu.memref_slice %arg4[%add3A_63, %dma_start3A_90] : memref<425984x128xf32, #tpu.memory_space<hbm>> -> memref<256x128xf32, #tpu.memory_space<hbm>>
        tpu.enqueue_dma source(%arg6 : memref<256x128xf32, #tpu.memory_space<vmem>>) target(%dma_start3A_91 : memref<256x128xf32, #tpu.memory_space<hbm>>) target_semaphore(%run_scoped3A : memref<!tpu.dma_semaphore, #tpu.memory_space<semaphore_mem>>)
        %dma_wait3A_92 = arith.constant 0 : i32
        %dma_wait3A_93 = tpu.memref_slice %arg4[%add3A_63, %dma_wait3A_92] : memref<425984x128xf32, #tpu.memory_space<hbm>> -> memref<256x128xf32, #tpu.memory_space<hbm>>
        %dma_wait3A_94 = arith.constant 0 : i32
        %dma_wait3A_95 = tpu.memref_slice %arg4[%add3A_63, %dma_wait3A_94] : memref<425984x128xf32, #tpu.memory_space<hbm>> -> memref<256x128xf32, #tpu.memory_space<hbm>>
        tpu.wait_dma2 semaphore(%run_scoped3A : memref<!tpu.dma_semaphore, #tpu.memory_space<semaphore_mem>>) src(%arg6 : memref<256x128xf32, #tpu.memory_space<vmem>>) dst(%dma_wait3A_95 : memref<256x128xf32, #tpu.memory_space<hbm>>)
        tpu.yield
      }) : () -> ()
      %add3A_64 = arith.constant 2 : i32
      %add3A_65 = arith.addi %add3A_55, %add3A_64 : i32
      %lt3A = arith.constant 52 : i32
      %lt3A_66 = arith.cmpi slt, %add3A_65, %lt3A : i32
      %convert_element_type3A = arith.extui %lt3A_66 : i1 to i32
      %cond3A = arith.constant 0 : i32
      %cond3A_67 = arith.cmpi ne, %convert_element_type3A, %cond3A : i32
      scf.if %cond3A_67 {
        %add3A_88 = arith.constant 2 : i32
        %add3A_89 = arith.addi %add3A_55, %add3A_88 : i32
        %mul3A_90 = arith.constant 2 : i32
        %mul3A_91 = arith.muli %add3A_89, %mul3A_90 : i32
        %add3A_92 = arith.constant 0 : i32
        %add3A_93 = arith.addi %mul3A_91, %add3A_92 : i32
        %dma_start3A_94 = arith.constant 0 : i32
        %dma_start3A_95 = arith.constant 0 : i32
        %dma_start3A_96 = tpu.memref_slice %arg6[%dma_start3A_94, %dma_start3A_95] : memref<256x128xf32, #tpu.memory_space<vmem>> -> memref<128x128xf32, #tpu.memory_space<vmem>>
        %dma_start3A_97 = arith.constant 0 : i32
        %dma_start3A_98 = tpu.memref_slice %arg5[%add3A_93, %dma_start3A_97] : memref<104x128xi32, #tpu.memory_space<vmem>> -> memref<1x128xi32, #tpu.memory_space<vmem>>
        %dma_start3A_99 = tpu.memref_squeeze %dma_start3A_98 : memref<1x128xi32, #tpu.memory_space<vmem>> -> memref<128xi32, #tpu.memory_space<vmem>>
        %dma_start3A_100 = arith.constant 0 : i32
        %dma_start3A_101 = arith.constant 0 : i32
        %dma_start3A_102 = tpu.memref_slice %arg2[%dma_start3A_100, %dma_start3A_101] : memref<2600000x128xf32, #tpu.memory_space<hbm>> -> memref<2600000x128xf32, #tpu.memory_space<hbm>>
        tpu.enqueue_indirect_dma source(%dma_start3A_102 : memref<2600000x128xf32, #tpu.memory_space<hbm>>) target(%dma_start3A_96 : memref<128x128xf32, #tpu.memory_space<vmem>>) offsets(%dma_start3A_99 : memref<128xi32, #tpu.memory_space<vmem>>) semaphore(%arg8 : memref<!tpu.dma_semaphore, #tpu.memory_space<semaphore_mem>>)
        %mul3A_103 = arith.constant 2 : i32
        %mul3A_104 = arith.muli %add3A_89, %mul3A_103 : i32
        %add3A_105 = arith.constant 1 : i32
        %add3A_106 = arith.addi %mul3A_104, %add3A_105 : i32
        %dma_start3A_107 = arith.constant 128 : i32
        %dma_start3A_108 = arith.constant 0 : i32
        %dma_start3A_109 = tpu.memref_slice %arg6[%dma_start3A_107, %dma_start3A_108] : memref<256x128xf32, #tpu.memory_space<vmem>> -> memref<128x128xf32, #tpu.memory_space<vmem>>
        %dma_start3A_110 = arith.constant 0 : i32
        %dma_start3A_111 = tpu.memref_slice %arg5[%add3A_106, %dma_start3A_110] : memref<104x128xi32, #tpu.memory_space<vmem>> -> memref<1x128xi32, #tpu.memory_space<vmem>>
        %dma_start3A_112 = tpu.memref_squeeze %dma_start3A_111 : memref<1x128xi32, #tpu.memory_space<vmem>> -> memref<128xi32, #tpu.memory_space<vmem>>
        %dma_start3A_113 = arith.constant 0 : i32
        %dma_start3A_114 = arith.constant 0 : i32
        %dma_start3A_115 = tpu.memref_slice %arg2[%dma_start3A_113, %dma_start3A_114] : memref<2600000x128xf32, #tpu.memory_space<hbm>> -> memref<2600000x128xf32, #tpu.memory_space<hbm>>
        tpu.enqueue_indirect_dma source(%dma_start3A_115 : memref<2600000x128xf32, #tpu.memory_space<hbm>>) target(%dma_start3A_109 : memref<128x128xf32, #tpu.memory_space<vmem>>) offsets(%dma_start3A_112 : memref<128xi32, #tpu.memory_space<vmem>>) semaphore(%arg8 : memref<!tpu.dma_semaphore, #tpu.memory_space<semaphore_mem>>)
      } else {
      }
      %mul3A_68 = arith.constant 2 : i32
      %mul3A_69 = arith.muli %mul3A_68, %scan3A_51 : i32
      %add3A_70 = arith.constant 1 : i32
      %add3A_71 = arith.addi %mul3A_69, %add3A_70 : i32
      %dma_wait3A_72 = arith.constant 0 : i32
      %dma_wait3A_73 = arith.constant 0 : i32
      %dma_wait3A_74 = tpu.memref_slice %arg2[%dma_wait3A_72, %dma_wait3A_73] : memref<2600000x128xf32, #tpu.memory_space<hbm>> -> memref<256x128xf32, #tpu.memory_space<hbm>>
      %dma_wait3A_75 = arith.constant 0 : i32
      %dma_wait3A_76 = arith.constant 0 : i32
      %dma_wait3A_77 = tpu.memref_slice %arg2[%dma_wait3A_75, %dma_wait3A_76] : memref<2600000x128xf32, #tpu.memory_space<hbm>> -> memref<256x128xf32, #tpu.memory_space<hbm>>
      tpu.wait_dma2 semaphore(%arg9 : memref<!tpu.dma_semaphore, #tpu.memory_space<semaphore_mem>>) src(%dma_wait3A_77 : memref<256x128xf32, #tpu.memory_space<hbm>>) dst(%arg7 : memref<256x128xf32, #tpu.memory_space<vmem>>)
      %mul3A_78 = arith.constant 256 : i32
      %mul3A_79 = arith.muli %add3A_71, %mul3A_78 : i32
      %add3A_80 = arith.addi %mul3A_6, %mul3A_79 : i32
      "tpu.region"() ({
        %run_scoped3A = tpu.sem_alloc : memref<!tpu.dma_semaphore, #tpu.memory_space<semaphore_mem>>
        %dma_start3A_88 = arith.constant 0 : i32
        %dma_start3A_89 = tpu.memref_slice %arg4[%add3A_80, %dma_start3A_88] : memref<425984x128xf32, #tpu.memory_space<hbm>> -> memref<256x128xf32, #tpu.memory_space<hbm>>
        %dma_start3A_90 = arith.constant 0 : i32
        %dma_start3A_91 = tpu.memref_slice %arg4[%add3A_80, %dma_start3A_90] : memref<425984x128xf32, #tpu.memory_space<hbm>> -> memref<256x128xf32, #tpu.memory_space<hbm>>
        tpu.enqueue_dma source(%arg7 : memref<256x128xf32, #tpu.memory_space<vmem>>) target(%dma_start3A_91 : memref<256x128xf32, #tpu.memory_space<hbm>>) target_semaphore(%run_scoped3A : memref<!tpu.dma_semaphore, #tpu.memory_space<semaphore_mem>>)
        %dma_wait3A_92 = arith.constant 0 : i32
        %dma_wait3A_93 = tpu.memref_slice %arg4[%add3A_80, %dma_wait3A_92] : memref<425984x128xf32, #tpu.memory_space<hbm>> -> memref<256x128xf32, #tpu.memory_space<hbm>>
        %dma_wait3A_94 = arith.constant 0 : i32
        %dma_wait3A_95 = tpu.memref_slice %arg4[%add3A_80, %dma_wait3A_94] : memref<425984x128xf32, #tpu.memory_space<hbm>> -> memref<256x128xf32, #tpu.memory_space<hbm>>
        tpu.wait_dma2 semaphore(%run_scoped3A : memref<!tpu.dma_semaphore, #tpu.memory_space<semaphore_mem>>) src(%arg7 : memref<256x128xf32, #tpu.memory_space<vmem>>) dst(%dma_wait3A_95 : memref<256x128xf32, #tpu.memory_space<hbm>>)
        tpu.yield
      }) : () -> ()
      %add3A_81 = arith.constant 2 : i32
      %add3A_82 = arith.addi %add3A_71, %add3A_81 : i32
      %lt3A_83 = arith.constant 52 : i32
      %lt3A_84 = arith.cmpi slt, %add3A_82, %lt3A_83 : i32
      %convert_element_type3A_85 = arith.extui %lt3A_84 : i1 to i32
      %cond3A_86 = arith.constant 0 : i32
      %cond3A_87 = arith.cmpi ne, %convert_element_type3A_85, %cond3A_86 : i32
      scf.if %cond3A_87 {
        %add3A_88 = arith.constant 2 : i32
        %add3A_89 = arith.addi %add3A_71, %add3A_88 : i32
        %mul3A_90 = arith.constant 2 : i32
        %mul3A_91 = arith.muli %add3A_89, %mul3A_90 : i32
        %add3A_92 = arith.constant 0 : i32
        %add3A_93 = arith.addi %mul3A_91, %add3A_92 : i32
        %dma_start3A_94 = arith.constant 0 : i32
        %dma_start3A_95 = arith.constant 0 : i32
        %dma_start3A_96 = tpu.memref_slice %arg7[%dma_start3A_94, %dma_start3A_95] : memref<256x128xf32, #tpu.memory_space<vmem>> -> memref<128x128xf32, #tpu.memory_space<vmem>>
        %dma_start3A_97 = arith.constant 0 : i32
        %dma_start3A_98 = tpu.memref_slice %arg5[%add3A_93, %dma_start3A_97] : memref<104x128xi32, #tpu.memory_space<vmem>> -> memref<1x128xi32, #tpu.memory_space<vmem>>
        %dma_start3A_99 = tpu.memref_squeeze %dma_start3A_98 : memref<1x128xi32, #tpu.memory_space<vmem>> -> memref<128xi32, #tpu.memory_space<vmem>>
        %dma_start3A_100 = arith.constant 0 : i32
        %dma_start3A_101 = arith.constant 0 : i32
        %dma_start3A_102 = tpu.memref_slice %arg2[%dma_start3A_100, %dma_start3A_101] : memref<2600000x128xf32, #tpu.memory_space<hbm>> -> memref<2600000x128xf32, #tpu.memory_space<hbm>>
        tpu.enqueue_indirect_dma source(%dma_start3A_102 : memref<2600000x128xf32, #tpu.memory_space<hbm>>) target(%dma_start3A_96 : memref<128x128xf32, #tpu.memory_space<vmem>>) offsets(%dma_start3A_99 : memref<128xi32, #tpu.memory_space<vmem>>) semaphore(%arg9 : memref<!tpu.dma_semaphore, #tpu.memory_space<semaphore_mem>>)
        %mul3A_103 = arith.constant 2 : i32
        %mul3A_104 = arith.muli %add3A_89, %mul3A_103 : i32
        %add3A_105 = arith.constant 1 : i32
        %add3A_106 = arith.addi %mul3A_104, %add3A_105 : i32
        %dma_start3A_107 = arith.constant 128 : i32
        %dma_start3A_108 = arith.constant 0 : i32
        %dma_start3A_109 = tpu.memref_slice %arg7[%dma_start3A_107, %dma_start3A_108] : memref<256x128xf32, #tpu.memory_space<vmem>> -> memref<128x128xf32, #tpu.memory_space<vmem>>
        %dma_start3A_110 = arith.constant 0 : i32
        %dma_start3A_111 = tpu.memref_slice %arg5[%add3A_106, %dma_start3A_110] : memref<104x128xi32, #tpu.memory_space<vmem>> -> memref<1x128xi32, #tpu.memory_space<vmem>>
        %dma_start3A_112 = tpu.memref_squeeze %dma_start3A_111 : memref<1x128xi32, #tpu.memory_space<vmem>> -> memref<128xi32, #tpu.memory_space<vmem>>
        %dma_start3A_113 = arith.constant 0 : i32
        %dma_start3A_114 = arith.constant 0 : i32
        %dma_start3A_115 = tpu.memref_slice %arg2[%dma_start3A_113, %dma_start3A_114] : memref<2600000x128xf32, #tpu.memory_space<hbm>> -> memref<2600000x128xf32, #tpu.memory_space<hbm>>
        tpu.enqueue_indirect_dma source(%dma_start3A_115 : memref<2600000x128xf32, #tpu.memory_space<hbm>>) target(%dma_start3A_109 : memref<128x128xf32, #tpu.memory_space<vmem>>) offsets(%dma_start3A_112 : memref<128xi32, #tpu.memory_space<vmem>>) semaphore(%arg9 : memref<!tpu.dma_semaphore, #tpu.memory_space<semaphore_mem>>)
      } else {
      }
    }
    %scan3A_50 = arith.constant 26 : i32
    return
  }
}

module attributes {stable_mosaic.version = 14 : i64} {
  func.func @body(%arg0: i32, %arg1: memref<1024x3328xf32, #tpu.memory_space<vmem>>, %arg2: memref<2x3328xf32, #tpu.memory_space<vmem>>) attributes {dimension_semantics = [#tpu.dimension_semantics<arbitrary>], iteration_bounds = array<i64: 16>, scalar_prefetch = 0 : i64, scratch_operands = 0 : i64, tpu.core_type = #tpu.core_type<tc>, window_params = [{transform_indices = @transform_0, window_bounds = array<i64: 1024, 3328>}, {pipeline_mode = #tpu.pipeline_mode<synchronous>, transform_indices = @transform_1, window_bounds = array<i64: 2, 3328>}]} {
    %eq3A = arith.constant 0 : i32
    %eq3A_0 = arith.cmpi eq, %arg0, %eq3A : i32
    %convert_element_type3A = arith.extui %eq3A_0 : i1 to i32
    %cond3A = arith.constant 0 : i32
    %cond3A_1 = arith.cmpi ne, %convert_element_type3A, %cond3A : i32
    scf.if %cond3A_1 {
      %broadcast_in_dim3A_20 = arith.constant 0.000000e+00 : f32
      %broadcast_in_dim3A_21 = vector.broadcast %broadcast_in_dim3A_20 : f32 to vector<2x3328xf32>
      %swap3A_22 = arith.constant 0 : index
      %swap3A_23 = arith.constant 0 : index
      %swap3A_24 = vector.load %arg2[%swap3A_22, %swap3A_23] : memref<2x3328xf32, #tpu.memory_space<vmem>>, vector<2x3328xf32>
      tpu.vector_store %arg2[%swap3A_22, %swap3A_23], %broadcast_in_dim3A_21 {strides = array<i32>} : memref<2x3328xf32, #tpu.memory_space<vmem>>, vector<2x3328xf32>,
    } else {
    }
    %get3A = arith.constant 0 : index
    %get3A_2 = arith.constant 0 : index
    %get3A_3 = vector.load %arg1[%get3A, %get3A_2] : memref<1024x3328xf32, #tpu.memory_space<vmem>>, vector<1024x3328xf32>
    %get3A_4 = arith.constant 0 : index
    %get3A_5 = arith.constant 0 : index
    %get3A_6 = vector.load %arg2[%get3A_4, %get3A_5] : memref<2x3328xf32, #tpu.memory_space<vmem>>, vector<1x3328xf32>
    %reduce_sum3A = arith.constant dense<0.000000e+00> : vector<3328xf32>
    %reduce_sum3A_7 = vector.multi_reduction <add>, %get3A_3, %reduce_sum3A [0] : vector<1024x3328xf32> to vector<3328xf32>
    %broadcast_in_dim3A = vector.shape_cast %reduce_sum3A_7 : vector<3328xf32> to vector<1x3328xf32>
    %add3A = arith.addf %get3A_6, %broadcast_in_dim3A : vector<1x3328xf32>
    %swap3A = arith.constant 0 : index
    %swap3A_8 = arith.constant 0 : index
    %swap3A_9 = vector.load %arg2[%swap3A, %swap3A_8] : memref<2x3328xf32, #tpu.memory_space<vmem>>, vector<1x3328xf32>
    tpu.vector_store %arg2[%swap3A, %swap3A_8], %add3A {strides = array<i32>} : memref<2x3328xf32, #tpu.memory_space<vmem>>, vector<1x3328xf32>,
    %get3A_10 = arith.constant 1 : index
    %get3A_11 = arith.constant 0 : index
    %get3A_12 = vector.load %arg2[%get3A_10, %get3A_11] : memref<2x3328xf32, #tpu.memory_space<vmem>>, vector<1x3328xf32>
    %mul3A = arith.mulf %get3A_3, %get3A_3 : vector<1024x3328xf32>
    %reduce_sum3A_13 = arith.constant dense<0.000000e+00> : vector<3328xf32>
    %reduce_sum3A_14 = vector.multi_reduction <add>, %mul3A, %reduce_sum3A_13 [0] : vector<1024x3328xf32> to vector<3328xf32>
    %broadcast_in_dim3A_15 = vector.shape_cast %reduce_sum3A_14 : vector<3328xf32> to vector<1x3328xf32>
    %add3A_16 = arith.addf %get3A_12, %broadcast_in_dim3A_15 : vector<1x3328xf32>
    %swap3A_17 = arith.constant 1 : index
    %swap3A_18 = arith.constant 0 : index
    %swap3A_19 = vector.load %arg2[%swap3A_17, %swap3A_18] : memref<2x3328xf32, #tpu.memory_space<vmem>>, vector<1x3328xf32>
    tpu.vector_store %arg2[%swap3A_17, %swap3A_18], %add3A_16 {strides = array<i32>} : memref<2x3328xf32, #tpu.memory_space<vmem>>, vector<1x3328xf32>,
    return
  }
  func.func @transform_0(%arg0: i32) -> (i32, i32) {
    %c0_i32 = arith.constant 0 : i32
    %c0_i32_0 = arith.constant 0 : i32
    return %arg0, %c0_i32 : i32, i32
  }
  func.func @transform_1(%arg0: i32) -> (i32, i32) {
    %c0_i32 = arith.constant 0 : i32
    %c0_i32_0 = arith.constant 0 : i32
    %c0_i32_1 = arith.constant 0 : i32
    return %c0_i32, %c0_i32_0 : i32, i32
  }
}

module attributes {stable_mosaic.version = 14 : i64} {
  func.func @body(%arg0: i32, %arg1: memref<1024x3328xf32, #tpu.memory_space<vmem>>, %arg2: memref<2x3328xf32, #tpu.memory_space<vmem>>, %arg3: memref<1x3328xf32, #tpu.memory_space<vmem>>, %arg4: memref<1x3328xf32, #tpu.memory_space<vmem>>, %arg5: memref<3328x300xf32, #tpu.memory_space<vmem>>, %arg6: memref<1x300xf32, #tpu.memory_space<vmem>>, %arg7: memref<1024x300xf32, #tpu.memory_space<vmem>>, %arg8: memref<2x300xf32, #tpu.memory_space<vmem>>) attributes {dimension_semantics = [#tpu.dimension_semantics<arbitrary>], iteration_bounds = array<i64: 16>, scalar_prefetch = 0 : i64, scratch_operands = 0 : i64, tpu.core_type = #tpu.core_type<tc>, window_params = [{transform_indices = @transform_0, window_bounds = array<i64: 1024, 3328>}, {pipeline_mode = #tpu.pipeline_mode<synchronous>, transform_indices = @transform_1, window_bounds = array<i64: 2, 3328>}, {pipeline_mode = #tpu.pipeline_mode<synchronous>, transform_indices = @transform_2, window_bounds = array<i64: 1, 3328>}, {pipeline_mode = #tpu.pipeline_mode<synchronous>, transform_indices = @transform_3, window_bounds = array<i64: 1, 3328>}, {pipeline_mode = #tpu.pipeline_mode<synchronous>, transform_indices = @transform_4, window_bounds = array<i64: 3328, 300>}, {pipeline_mode = #tpu.pipeline_mode<synchronous>, transform_indices = @transform_5, window_bounds = array<i64: 1, 300>}, {transform_indices = @transform_6, window_bounds = array<i64: 1024, 300>}, {pipeline_mode = #tpu.pipeline_mode<synchronous>, transform_indices = @transform_7, window_bounds = array<i64: 2, 300>}]} {
    %get3A = arith.constant 0 : index
    %get3A_0 = arith.constant 0 : index
    %get3A_1 = vector.load %arg2[%get3A, %get3A_0] : memref<2x3328xf32, #tpu.memory_space<vmem>>, vector<1x3328xf32>
    %mul3A = arith.constant 6.10351563E-5 : f32
    %mul3A_2 = vector.broadcast %mul3A : f32 to vector<1x3328xf32>
    %mul3A_3 = arith.mulf %get3A_1, %mul3A_2 : vector<1x3328xf32>
    %get3A_4 = arith.constant 1 : index
    %get3A_5 = arith.constant 0 : index
    %get3A_6 = vector.load %arg2[%get3A_4, %get3A_5] : memref<2x3328xf32, #tpu.memory_space<vmem>>, vector<1x3328xf32>
    %mul3A_7 = arith.constant 6.10351563E-5 : f32
    %mul3A_8 = vector.broadcast %mul3A_7 : f32 to vector<1x3328xf32>
    %mul3A_9 = arith.mulf %get3A_6, %mul3A_8 : vector<1x3328xf32>
    %mul3A_10 = arith.mulf %mul3A_3, %mul3A_3 : vector<1x3328xf32>
    %sub3A = arith.subf %mul3A_9, %mul3A_10 : vector<1x3328xf32>
    %add3A = arith.constant 9.99999974E-6 : f32
    %add3A_11 = vector.broadcast %add3A : f32 to vector<1x3328xf32>
    %add3A_12 = arith.addf %sub3A, %add3A_11 : vector<1x3328xf32>
    %rsqrt3A = math.rsqrt %add3A_12 : vector<1x3328xf32>
    %get3A_13 = arith.constant 0 : index
    %get3A_14 = arith.constant 0 : index
    %get3A_15 = vector.load %arg3[%get3A_13, %get3A_14] : memref<1x3328xf32, #tpu.memory_space<vmem>>, vector<1x3328xf32>
    %mul3A_16 = arith.mulf %rsqrt3A, %get3A_15 : vector<1x3328xf32>
    %get3A_17 = arith.constant 0 : index
    %get3A_18 = arith.constant 0 : index
    %get3A_19 = vector.load %arg1[%get3A_17, %get3A_18] : memref<1024x3328xf32, #tpu.memory_space<vmem>>, vector<1024x3328xf32>
    %sub3A_20 = vector.broadcast %mul3A_3 : vector<1x3328xf32> to vector<1024x3328xf32>
    %sub3A_21 = arith.subf %get3A_19, %sub3A_20 : vector<1024x3328xf32>
    %mul3A_22 = vector.broadcast %mul3A_16 : vector<1x3328xf32> to vector<1024x3328xf32>
    %mul3A_23 = arith.mulf %sub3A_21, %mul3A_22 : vector<1024x3328xf32>
    %get3A_24 = arith.constant 0 : index
    %get3A_25 = arith.constant 0 : index
    %get3A_26 = vector.load %arg4[%get3A_24, %get3A_25] : memref<1x3328xf32, #tpu.memory_space<vmem>>, vector<1x3328xf32>
    %add3A_27 = vector.broadcast %get3A_26 : vector<1x3328xf32> to vector<1024x3328xf32>
    %add3A_28 = arith.addf %mul3A_23, %add3A_27 : vector<1024x3328xf32>
    %get3A_29 = arith.constant 0 : index
    %get3A_30 = arith.constant 0 : index
    %get3A_31 = vector.load %arg5[%get3A_29, %get3A_30] : memref<3328x300xf32, #tpu.memory_space<vmem>>, vector<3328x300xf32>
    %dot_general3A = arith.constant dense<0.000000e+00> : vector<1024x300xf32>
    %dot_general3A_32 = tpu.matmul %add3A_28, %get3A_31, %dot_general3A {dimension_numbers = #tpu.dot_dimension_numbers<[1], [0], [0], [1], [0, 0, 1, 1], [], []>, transpose_lhs_hint = false} : vector<1024x3328xf32>, vector<3328x300xf32>, vector<1024x300xf32> -> vector<1024x300xf32>
    %get3A_33 = arith.constant 0 : index
    %get3A_34 = arith.constant 0 : index
    %get3A_35 = vector.load %arg6[%get3A_33, %get3A_34] : memref<1x300xf32, #tpu.memory_space<vmem>>, vector<1x300xf32>
    %add3A_36 = vector.broadcast %get3A_35 : vector<1x300xf32> to vector<1024x300xf32>
    %add3A_37 = arith.addf %dot_general3A_32, %add3A_36 : vector<1024x300xf32>
    %max3A = arith.constant 0.000000e+00 : f32
    %max3A_38 = vector.broadcast %max3A : f32 to vector<1024x300xf32>
    %max3A_39 = arith.maximumf %add3A_37, %max3A_38 : vector<1024x300xf32>
    %swap3A = arith.constant 0 : index
    %swap3A_40 = arith.constant 0 : index
    %swap3A_41 = vector.load %arg7[%swap3A, %swap3A_40] : memref<1024x300xf32, #tpu.memory_space<vmem>>, vector<1024x300xf32>
    tpu.vector_store %arg7[%swap3A, %swap3A_40], %max3A_39 {strides = array<i32>} : memref<1024x300xf32, #tpu.memory_space<vmem>>, vector<1024x300xf32>,
    %eq3A = arith.constant 0 : i32
    %eq3A_42 = arith.cmpi eq, %arg0, %eq3A : i32
    %convert_element_type3A = arith.extui %eq3A_42 : i1 to i32
    %cond3A = arith.constant 0 : i32
    %cond3A_43 = arith.cmpi ne, %convert_element_type3A, %cond3A : i32
    scf.if %cond3A_43 {
      %broadcast_in_dim3A_63 = arith.constant 0.000000e+00 : f32
      %broadcast_in_dim3A_64 = vector.broadcast %broadcast_in_dim3A_63 : f32 to vector<2x300xf32>
      %swap3A_65 = arith.constant 0 : index
      %swap3A_66 = arith.constant 0 : index
      %swap3A_67 = vector.load %arg8[%swap3A_65, %swap3A_66] : memref<2x300xf32, #tpu.memory_space<vmem>>, vector<2x300xf32>
      tpu.vector_store %arg8[%swap3A_65, %swap3A_66], %broadcast_in_dim3A_64 {strides = array<i32>} : memref<2x300xf32, #tpu.memory_space<vmem>>, vector<2x300xf32>,
    } else {
    }
    %get3A_44 = arith.constant 0 : index
    %get3A_45 = arith.constant 0 : index
    %get3A_46 = vector.load %arg8[%get3A_44, %get3A_45] : memref<2x300xf32, #tpu.memory_space<vmem>>, vector<1x300xf32>
    %reduce_sum3A = arith.constant dense<0.000000e+00> : vector<300xf32>
    %reduce_sum3A_47 = vector.multi_reduction <add>, %max3A_39, %reduce_sum3A [0] : vector<1024x300xf32> to vector<300xf32>
    %broadcast_in_dim3A = vector.shape_cast %reduce_sum3A_47 : vector<300xf32> to vector<1x300xf32>
    %add3A_48 = arith.addf %get3A_46, %broadcast_in_dim3A : vector<1x300xf32>
    %swap3A_49 = arith.constant 0 : index
    %swap3A_50 = arith.constant 0 : index
    %swap3A_51 = vector.load %arg8[%swap3A_49, %swap3A_50] : memref<2x300xf32, #tpu.memory_space<vmem>>, vector<1x300xf32>
    tpu.vector_store %arg8[%swap3A_49, %swap3A_50], %add3A_48 {strides = array<i32>} : memref<2x300xf32, #tpu.memory_space<vmem>>, vector<1x300xf32>,
    %get3A_52 = arith.constant 1 : index
    %get3A_53 = arith.constant 0 : index
    %get3A_54 = vector.load %arg8[%get3A_52, %get3A_53] : memref<2x300xf32, #tpu.memory_space<vmem>>, vector<1x300xf32>
    %mul3A_55 = arith.mulf %max3A_39, %max3A_39 : vector<1024x300xf32>
    %reduce_sum3A_56 = arith.constant dense<0.000000e+00> : vector<300xf32>
    %reduce_sum3A_57 = vector.multi_reduction <add>, %mul3A_55, %reduce_sum3A_56 [0] : vector<1024x300xf32> to vector<300xf32>
    %broadcast_in_dim3A_58 = vector.shape_cast %reduce_sum3A_57 : vector<300xf32> to vector<1x300xf32>
    %add3A_59 = arith.addf %get3A_54, %broadcast_in_dim3A_58 : vector<1x300xf32>
    %swap3A_60 = arith.constant 1 : index
    %swap3A_61 = arith.constant 0 : index
    %swap3A_62 = vector.load %arg8[%swap3A_60, %swap3A_61] : memref<2x300xf32, #tpu.memory_space<vmem>>, vector<1x300xf32>
    tpu.vector_store %arg8[%swap3A_60, %swap3A_61], %add3A_59 {strides = array<i32>} : memref<2x300xf32, #tpu.memory_space<vmem>>, vector<1x300xf32>,
    return
  }
  func.func @transform_0(%arg0: i32) -> (i32, i32) {
    %c0_i32 = arith.constant 0 : i32
    %c0_i32_0 = arith.constant 0 : i32
    return %arg0, %c0_i32 : i32, i32
  }
  func.func @transform_1(%arg0: i32) -> (i32, i32) {
    %c0_i32 = arith.constant 0 : i32
    %c0_i32_0 = arith.constant 0 : i32
    %c0_i32_1 = arith.constant 0 : i32
    return %c0_i32, %c0_i32_0 : i32, i32
  }
  func.func @transform_2(%arg0: i32) -> (i32, i32) {
    %c0_i32 = arith.constant 0 : i32
    %c0_i32_0 = arith.constant 0 : i32
    %c0_i32_1 = arith.constant 0 : i32
    return %c0_i32, %c0_i32_0 : i32, i32
  }
  func.func @transform_3(%arg0: i32) -> (i32, i32) {
    %c0_i32 = arith.constant 0 : i32
    %c0_i32_0 = arith.constant 0 : i32
    %c0_i32_1 = arith.constant 0 : i32
    return %c0_i32, %c0_i32_0 : i32, i32
  }
  func.func @transform_4(%arg0: i32) -> (i32, i32) {
    %c0_i32 = arith.constant 0 : i32
    %c0_i32_0 = arith.constant 0 : i32
    %c0_i32_1 = arith.constant 0 : i32
    return %c0_i32, %c0_i32_0 : i32, i32
  }
  func.func @transform_5(%arg0: i32) -> (i32, i32) {
    %c0_i32 = arith.constant 0 : i32
    %c0_i32_0 = arith.constant 0 : i32
    %c0_i32_1 = arith.constant 0 : i32
    return %c0_i32, %c0_i32_0 : i32, i32
  }
  func.func @transform_6(%arg0: i32) -> (i32, i32) {
    %c0_i32 = arith.constant 0 : i32
    %c0_i32_0 = arith.constant 0 : i32
    return %arg0, %c0_i32 : i32, i32
  }
  func.func @transform_7(%arg0: i32) -> (i32, i32) {
    %c0_i32 = arith.constant 0 : i32
    %c0_i32_0 = arith.constant 0 : i32
    %c0_i32_1 = arith.constant 0 : i32
    return %c0_i32, %c0_i32_0 : i32, i32
  }
}

module attributes {stable_mosaic.version = 14 : i64} {
  func.func @body(%arg0: i32, %arg1: memref<2048x300xf32, #tpu.memory_space<vmem>>, %arg2: memref<2x300xf32, #tpu.memory_space<vmem>>, %arg3: memref<1x300xf32, #tpu.memory_space<vmem>>, %arg4: memref<1x300xf32, #tpu.memory_space<vmem>>, %arg5: memref<300x300xf32, #tpu.memory_space<vmem>>, %arg6: memref<1x300xf32, #tpu.memory_space<vmem>>, %arg7: memref<2048x300xf32, #tpu.memory_space<vmem>>, %arg8: memref<2x300xf32, #tpu.memory_space<vmem>>) attributes {dimension_semantics = [#tpu.dimension_semantics<arbitrary>], iteration_bounds = array<i64: 8>, scalar_prefetch = 0 : i64, scratch_operands = 0 : i64, tpu.core_type = #tpu.core_type<tc>, window_params = [{transform_indices = @transform_0, window_bounds = array<i64: 2048, 300>}, {pipeline_mode = #tpu.pipeline_mode<synchronous>, transform_indices = @transform_1, window_bounds = array<i64: 2, 300>}, {pipeline_mode = #tpu.pipeline_mode<synchronous>, transform_indices = @transform_2, window_bounds = array<i64: 1, 300>}, {pipeline_mode = #tpu.pipeline_mode<synchronous>, transform_indices = @transform_3, window_bounds = array<i64: 1, 300>}, {pipeline_mode = #tpu.pipeline_mode<synchronous>, transform_indices = @transform_4, window_bounds = array<i64: 300, 300>}, {pipeline_mode = #tpu.pipeline_mode<synchronous>, transform_indices = @transform_5, window_bounds = array<i64: 1, 300>}, {transform_indices = @transform_6, window_bounds = array<i64: 2048, 300>}, {pipeline_mode = #tpu.pipeline_mode<synchronous>, transform_indices = @transform_7, window_bounds = array<i64: 2, 300>}]} {
    %get3A = arith.constant 0 : index
    %get3A_0 = arith.constant 0 : index
    %get3A_1 = vector.load %arg2[%get3A, %get3A_0] : memref<2x300xf32, #tpu.memory_space<vmem>>, vector<1x300xf32>
    %mul3A = arith.constant 6.10351563E-5 : f32
    %mul3A_2 = vector.broadcast %mul3A : f32 to vector<1x300xf32>
    %mul3A_3 = arith.mulf %get3A_1, %mul3A_2 : vector<1x300xf32>
    %get3A_4 = arith.constant 1 : index
    %get3A_5 = arith.constant 0 : index
    %get3A_6 = vector.load %arg2[%get3A_4, %get3A_5] : memref<2x300xf32, #tpu.memory_space<vmem>>, vector<1x300xf32>
    %mul3A_7 = arith.constant 6.10351563E-5 : f32
    %mul3A_8 = vector.broadcast %mul3A_7 : f32 to vector<1x300xf32>
    %mul3A_9 = arith.mulf %get3A_6, %mul3A_8 : vector<1x300xf32>
    %mul3A_10 = arith.mulf %mul3A_3, %mul3A_3 : vector<1x300xf32>
    %sub3A = arith.subf %mul3A_9, %mul3A_10 : vector<1x300xf32>
    %add3A = arith.constant 9.99999974E-6 : f32
    %add3A_11 = vector.broadcast %add3A : f32 to vector<1x300xf32>
    %add3A_12 = arith.addf %sub3A, %add3A_11 : vector<1x300xf32>
    %rsqrt3A = math.rsqrt %add3A_12 : vector<1x300xf32>
    %get3A_13 = arith.constant 0 : index
    %get3A_14 = arith.constant 0 : index
    %get3A_15 = vector.load %arg3[%get3A_13, %get3A_14] : memref<1x300xf32, #tpu.memory_space<vmem>>, vector<1x300xf32>
    %mul3A_16 = arith.mulf %rsqrt3A, %get3A_15 : vector<1x300xf32>
    %get3A_17 = arith.constant 0 : index
    %get3A_18 = arith.constant 0 : index
    %get3A_19 = vector.load %arg1[%get3A_17, %get3A_18] : memref<2048x300xf32, #tpu.memory_space<vmem>>, vector<2048x300xf32>
    %sub3A_20 = vector.broadcast %mul3A_3 : vector<1x300xf32> to vector<2048x300xf32>
    %sub3A_21 = arith.subf %get3A_19, %sub3A_20 : vector<2048x300xf32>
    %mul3A_22 = vector.broadcast %mul3A_16 : vector<1x300xf32> to vector<2048x300xf32>
    %mul3A_23 = arith.mulf %sub3A_21, %mul3A_22 : vector<2048x300xf32>
    %get3A_24 = arith.constant 0 : index
    %get3A_25 = arith.constant 0 : index
    %get3A_26 = vector.load %arg4[%get3A_24, %get3A_25] : memref<1x300xf32, #tpu.memory_space<vmem>>, vector<1x300xf32>
    %add3A_27 = vector.broadcast %get3A_26 : vector<1x300xf32> to vector<2048x300xf32>
    %add3A_28 = arith.addf %mul3A_23, %add3A_27 : vector<2048x300xf32>
    %get3A_29 = arith.constant 0 : index
    %get3A_30 = arith.constant 0 : index
    %get3A_31 = vector.load %arg5[%get3A_29, %get3A_30] : memref<300x300xf32, #tpu.memory_space<vmem>>, vector<300x300xf32>
    %dot_general3A = arith.constant dense<0.000000e+00> : vector<2048x300xf32>
    %dot_general3A_32 = tpu.matmul %add3A_28, %get3A_31, %dot_general3A {dimension_numbers = #tpu.dot_dimension_numbers<[1], [0], [0], [1], [0, 0, 1, 1], [], []>, transpose_lhs_hint = false} : vector<2048x300xf32>, vector<300x300xf32>, vector<2048x300xf32> -> vector<2048x300xf32>
    %get3A_33 = arith.constant 0 : index
    %get3A_34 = arith.constant 0 : index
    %get3A_35 = vector.load %arg6[%get3A_33, %get3A_34] : memref<1x300xf32, #tpu.memory_space<vmem>>, vector<1x300xf32>
    %add3A_36 = vector.broadcast %get3A_35 : vector<1x300xf32> to vector<2048x300xf32>
    %add3A_37 = arith.addf %dot_general3A_32, %add3A_36 : vector<2048x300xf32>
    %max3A = arith.constant 0.000000e+00 : f32
    %max3A_38 = vector.broadcast %max3A : f32 to vector<2048x300xf32>
    %max3A_39 = arith.maximumf %add3A_37, %max3A_38 : vector<2048x300xf32>
    %swap3A = arith.constant 0 : index
    %swap3A_40 = arith.constant 0 : index
    %swap3A_41 = vector.load %arg7[%swap3A, %swap3A_40] : memref<2048x300xf32, #tpu.memory_space<vmem>>, vector<2048x300xf32>
    tpu.vector_store %arg7[%swap3A, %swap3A_40], %max3A_39 {strides = array<i32>} : memref<2048x300xf32, #tpu.memory_space<vmem>>, vector<2048x300xf32>,
    %eq3A = arith.constant 0 : i32
    %eq3A_42 = arith.cmpi eq, %arg0, %eq3A : i32
    %convert_element_type3A = arith.extui %eq3A_42 : i1 to i32
    %cond3A = arith.constant 0 : i32
    %cond3A_43 = arith.cmpi ne, %convert_element_type3A, %cond3A : i32
    scf.if %cond3A_43 {
      %broadcast_in_dim3A_63 = arith.constant 0.000000e+00 : f32
      %broadcast_in_dim3A_64 = vector.broadcast %broadcast_in_dim3A_63 : f32 to vector<2x300xf32>
      %swap3A_65 = arith.constant 0 : index
      %swap3A_66 = arith.constant 0 : index
      %swap3A_67 = vector.load %arg8[%swap3A_65, %swap3A_66] : memref<2x300xf32, #tpu.memory_space<vmem>>, vector<2x300xf32>
      tpu.vector_store %arg8[%swap3A_65, %swap3A_66], %broadcast_in_dim3A_64 {strides = array<i32>} : memref<2x300xf32, #tpu.memory_space<vmem>>, vector<2x300xf32>,
    } else {
    }
    %get3A_44 = arith.constant 0 : index
    %get3A_45 = arith.constant 0 : index
    %get3A_46 = vector.load %arg8[%get3A_44, %get3A_45] : memref<2x300xf32, #tpu.memory_space<vmem>>, vector<1x300xf32>
    %reduce_sum3A = arith.constant dense<0.000000e+00> : vector<300xf32>
    %reduce_sum3A_47 = vector.multi_reduction <add>, %max3A_39, %reduce_sum3A [0] : vector<2048x300xf32> to vector<300xf32>
    %broadcast_in_dim3A = vector.shape_cast %reduce_sum3A_47 : vector<300xf32> to vector<1x300xf32>
    %add3A_48 = arith.addf %get3A_46, %broadcast_in_dim3A : vector<1x300xf32>
    %swap3A_49 = arith.constant 0 : index
    %swap3A_50 = arith.constant 0 : index
    %swap3A_51 = vector.load %arg8[%swap3A_49, %swap3A_50] : memref<2x300xf32, #tpu.memory_space<vmem>>, vector<1x300xf32>
    tpu.vector_store %arg8[%swap3A_49, %swap3A_50], %add3A_48 {strides = array<i32>} : memref<2x300xf32, #tpu.memory_space<vmem>>, vector<1x300xf32>,
    %get3A_52 = arith.constant 1 : index
    %get3A_53 = arith.constant 0 : index
    %get3A_54 = vector.load %arg8[%get3A_52, %get3A_53] : memref<2x300xf32, #tpu.memory_space<vmem>>, vector<1x300xf32>
    %mul3A_55 = arith.mulf %max3A_39, %max3A_39 : vector<2048x300xf32>
    %reduce_sum3A_56 = arith.constant dense<0.000000e+00> : vector<300xf32>
    %reduce_sum3A_57 = vector.multi_reduction <add>, %mul3A_55, %reduce_sum3A_56 [0] : vector<2048x300xf32> to vector<300xf32>
    %broadcast_in_dim3A_58 = vector.shape_cast %reduce_sum3A_57 : vector<300xf32> to vector<1x300xf32>
    %add3A_59 = arith.addf %get3A_54, %broadcast_in_dim3A_58 : vector<1x300xf32>
    %swap3A_60 = arith.constant 1 : index
    %swap3A_61 = arith.constant 0 : index
    %swap3A_62 = vector.load %arg8[%swap3A_60, %swap3A_61] : memref<2x300xf32, #tpu.memory_space<vmem>>, vector<1x300xf32>
    tpu.vector_store %arg8[%swap3A_60, %swap3A_61], %add3A_59 {strides = array<i32>} : memref<2x300xf32, #tpu.memory_space<vmem>>, vector<1x300xf32>,
    return
  }
  func.func @transform_0(%arg0: i32) -> (i32, i32) {
    %c0_i32 = arith.constant 0 : i32
    %c0_i32_0 = arith.constant 0 : i32
    return %arg0, %c0_i32 : i32, i32
  }
  func.func @transform_1(%arg0: i32) -> (i32, i32) {
    %c0_i32 = arith.constant 0 : i32
    %c0_i32_0 = arith.constant 0 : i32
    %c0_i32_1 = arith.constant 0 : i32
    return %c0_i32, %c0_i32_0 : i32, i32
  }
  func.func @transform_2(%arg0: i32) -> (i32, i32) {
    %c0_i32 = arith.constant 0 : i32
    %c0_i32_0 = arith.constant 0 : i32
    %c0_i32_1 = arith.constant 0 : i32
    return %c0_i32, %c0_i32_0 : i32, i32
  }
  func.func @transform_3(%arg0: i32) -> (i32, i32) {
    %c0_i32 = arith.constant 0 : i32
    %c0_i32_0 = arith.constant 0 : i32
    %c0_i32_1 = arith.constant 0 : i32
    return %c0_i32, %c0_i32_0 : i32, i32
  }
  func.func @transform_4(%arg0: i32) -> (i32, i32) {
    %c0_i32 = arith.constant 0 : i32
    %c0_i32_0 = arith.constant 0 : i32
    %c0_i32_1 = arith.constant 0 : i32
    return %c0_i32, %c0_i32_0 : i32, i32
  }
  func.func @transform_5(%arg0: i32) -> (i32, i32) {
    %c0_i32 = arith.constant 0 : i32
    %c0_i32_0 = arith.constant 0 : i32
    %c0_i32_1 = arith.constant 0 : i32
    return %c0_i32, %c0_i32_0 : i32, i32
  }
  func.func @transform_6(%arg0: i32) -> (i32, i32) {
    %c0_i32 = arith.constant 0 : i32
    %c0_i32_0 = arith.constant 0 : i32
    return %arg0, %c0_i32 : i32, i32
  }
  func.func @transform_7(%arg0: i32) -> (i32, i32) {
    %c0_i32 = arith.constant 0 : i32
    %c0_i32_0 = arith.constant 0 : i32
    %c0_i32_1 = arith.constant 0 : i32
    return %c0_i32, %c0_i32_0 : i32, i32
  }
}

module attributes {stable_mosaic.version = 14 : i64} {
  func.func @body(%arg0: i32, %arg1: memref<2048x300xf32, #tpu.memory_space<vmem>>, %arg2: memref<2x300xf32, #tpu.memory_space<vmem>>, %arg3: memref<1x300xf32, #tpu.memory_space<vmem>>, %arg4: memref<1x300xf32, #tpu.memory_space<vmem>>, %arg5: memref<300x2xf32, #tpu.memory_space<vmem>>, %arg6: memref<1x2xf32, #tpu.memory_space<vmem>>, %arg7: memref<2048x2xf32, #tpu.memory_space<vmem>>) attributes {dimension_semantics = [#tpu.dimension_semantics<arbitrary>], iteration_bounds = array<i64: 8>, scalar_prefetch = 0 : i64, scratch_operands = 0 : i64, tpu.core_type = #tpu.core_type<tc>, window_params = [{transform_indices = @transform_0, window_bounds = array<i64: 2048, 300>}, {pipeline_mode = #tpu.pipeline_mode<synchronous>, transform_indices = @transform_1, window_bounds = array<i64: 2, 300>}, {pipeline_mode = #tpu.pipeline_mode<synchronous>, transform_indices = @transform_2, window_bounds = array<i64: 1, 300>}, {pipeline_mode = #tpu.pipeline_mode<synchronous>, transform_indices = @transform_3, window_bounds = array<i64: 1, 300>}, {pipeline_mode = #tpu.pipeline_mode<synchronous>, transform_indices = @transform_4, window_bounds = array<i64: 300, 2>}, {pipeline_mode = #tpu.pipeline_mode<synchronous>, transform_indices = @transform_5, window_bounds = array<i64: 1, 2>}, {transform_indices = @transform_6, window_bounds = array<i64: 2048, 2>}]} {
    %get3A = arith.constant 0 : index
    %get3A_0 = arith.constant 0 : index
    %get3A_1 = vector.load %arg2[%get3A, %get3A_0] : memref<2x300xf32, #tpu.memory_space<vmem>>, vector<1x300xf32>
    %mul3A = arith.constant 6.10351563E-5 : f32
    %mul3A_2 = vector.broadcast %mul3A : f32 to vector<1x300xf32>
    %mul3A_3 = arith.mulf %get3A_1, %mul3A_2 : vector<1x300xf32>
    %get3A_4 = arith.constant 1 : index
    %get3A_5 = arith.constant 0 : index
    %get3A_6 = vector.load %arg2[%get3A_4, %get3A_5] : memref<2x300xf32, #tpu.memory_space<vmem>>, vector<1x300xf32>
    %mul3A_7 = arith.constant 6.10351563E-5 : f32
    %mul3A_8 = vector.broadcast %mul3A_7 : f32 to vector<1x300xf32>
    %mul3A_9 = arith.mulf %get3A_6, %mul3A_8 : vector<1x300xf32>
    %mul3A_10 = arith.mulf %mul3A_3, %mul3A_3 : vector<1x300xf32>
    %sub3A = arith.subf %mul3A_9, %mul3A_10 : vector<1x300xf32>
    %add3A = arith.constant 9.99999974E-6 : f32
    %add3A_11 = vector.broadcast %add3A : f32 to vector<1x300xf32>
    %add3A_12 = arith.addf %sub3A, %add3A_11 : vector<1x300xf32>
    %rsqrt3A = math.rsqrt %add3A_12 : vector<1x300xf32>
    %get3A_13 = arith.constant 0 : index
    %get3A_14 = arith.constant 0 : index
    %get3A_15 = vector.load %arg3[%get3A_13, %get3A_14] : memref<1x300xf32, #tpu.memory_space<vmem>>, vector<1x300xf32>
    %mul3A_16 = arith.mulf %rsqrt3A, %get3A_15 : vector<1x300xf32>
    %get3A_17 = arith.constant 0 : index
    %get3A_18 = arith.constant 0 : index
    %get3A_19 = vector.load %arg1[%get3A_17, %get3A_18] : memref<2048x300xf32, #tpu.memory_space<vmem>>, vector<2048x300xf32>
    %sub3A_20 = vector.broadcast %mul3A_3 : vector<1x300xf32> to vector<2048x300xf32>
    %sub3A_21 = arith.subf %get3A_19, %sub3A_20 : vector<2048x300xf32>
    %mul3A_22 = vector.broadcast %mul3A_16 : vector<1x300xf32> to vector<2048x300xf32>
    %mul3A_23 = arith.mulf %sub3A_21, %mul3A_22 : vector<2048x300xf32>
    %get3A_24 = arith.constant 0 : index
    %get3A_25 = arith.constant 0 : index
    %get3A_26 = vector.load %arg4[%get3A_24, %get3A_25] : memref<1x300xf32, #tpu.memory_space<vmem>>, vector<1x300xf32>
    %add3A_27 = vector.broadcast %get3A_26 : vector<1x300xf32> to vector<2048x300xf32>
    %add3A_28 = arith.addf %mul3A_23, %add3A_27 : vector<2048x300xf32>
    %get3A_29 = arith.constant 0 : index
    %get3A_30 = arith.constant 0 : index
    %get3A_31 = vector.load %arg5[%get3A_29, %get3A_30] : memref<300x2xf32, #tpu.memory_space<vmem>>, vector<300x2xf32>
    %dot_general3A = arith.constant dense<0.000000e+00> : vector<2048x2xf32>
    %dot_general3A_32 = tpu.matmul %add3A_28, %get3A_31, %dot_general3A {dimension_numbers = #tpu.dot_dimension_numbers<[1], [0], [0], [1], [0, 0, 1, 1], [], []>, transpose_lhs_hint = false} : vector<2048x300xf32>, vector<300x2xf32>, vector<2048x2xf32> -> vector<2048x2xf32>
    %get3A_33 = arith.constant 0 : index
    %get3A_34 = arith.constant 0 : index
    %get3A_35 = vector.load %arg6[%get3A_33, %get3A_34] : memref<1x2xf32, #tpu.memory_space<vmem>>, vector<1x2xf32>
    %add3A_36 = vector.broadcast %get3A_35 : vector<1x2xf32> to vector<2048x2xf32>
    %add3A_37 = arith.addf %dot_general3A_32, %add3A_36 : vector<2048x2xf32>
    %reduce_max3A = arith.constant dense<0xFF800000> : vector<2048xf32>
    %reduce_max3A_38 = vector.multi_reduction <maximumf>, %add3A_37, %reduce_max3A [1] : vector<2048x2xf32> to vector<2048xf32>
    %broadcast_in_dim3A = vector.shape_cast %reduce_max3A_38 : vector<2048xf32> to vector<2048x1xf32>
    %sub3A_39 = vector.broadcast %broadcast_in_dim3A : vector<2048x1xf32> to vector<2048x2xf32>
    %sub3A_40 = arith.subf %add3A_37, %sub3A_39 : vector<2048x2xf32>
    %exp3A = math.exp %sub3A_40 : vector<2048x2xf32>
    %reduce_sum3A = arith.constant dense<0.000000e+00> : vector<2048xf32>
    %reduce_sum3A_41 = vector.multi_reduction <add>, %exp3A, %reduce_sum3A [1] : vector<2048x2xf32> to vector<2048xf32>
    %broadcast_in_dim3A_42 = vector.shape_cast %reduce_sum3A_41 : vector<2048xf32> to vector<2048x1xf32>
    %div3A = vector.broadcast %broadcast_in_dim3A_42 : vector<2048x1xf32> to vector<2048x2xf32>
    %div3A_43 = arith.divf %exp3A, %div3A : vector<2048x2xf32>
    %swap3A = arith.constant 0 : index
    %swap3A_44 = arith.constant 0 : index
    %swap3A_45 = vector.load %arg7[%swap3A, %swap3A_44] : memref<2048x2xf32, #tpu.memory_space<vmem>>, vector<2048x2xf32>
    tpu.vector_store %arg7[%swap3A, %swap3A_44], %div3A_43 {strides = array<i32>} : memref<2048x2xf32, #tpu.memory_space<vmem>>, vector<2048x2xf32>,
    return
  }
  func.func @transform_0(%arg0: i32) -> (i32, i32) {
    %c0_i32 = arith.constant 0 : i32
    %c0_i32_0 = arith.constant 0 : i32
    return %arg0, %c0_i32 : i32, i32
  }
  func.func @transform_1(%arg0: i32) -> (i32, i32) {
    %c0_i32 = arith.constant 0 : i32
    %c0_i32_0 = arith.constant 0 : i32
    %c0_i32_1 = arith.constant 0 : i32
    return %c0_i32, %c0_i32_0 : i32, i32
  }
  func.func @transform_2(%arg0: i32) -> (i32, i32) {
    %c0_i32 = arith.constant 0 : i32
    %c0_i32_0 = arith.constant 0 : i32
    %c0_i32_1 = arith.constant 0 : i32
    return %c0_i32, %c0_i32_0 : i32, i32
  }
  func.func @transform_3(%arg0: i32) -> (i32, i32) {
    %c0_i32 = arith.constant 0 : i32
    %c0_i32_0 = arith.constant 0 : i32
    %c0_i32_1 = arith.constant 0 : i32
    return %c0_i32, %c0_i32_0 : i32, i32
  }
  func.func @transform_4(%arg0: i32) -> (i32, i32) {
    %c0_i32 = arith.constant 0 : i32
    %c0_i32_0 = arith.constant 0 : i32
    %c0_i32_1 = arith.constant 0 : i32
    return %c0_i32, %c0_i32_0 : i32, i32
  }
  func.func @transform_5(%arg0: i32) -> (i32, i32) {
    %c0_i32 = arith.constant 0 : i32
    %c0_i32_0 = arith.constant 0 : i32
    %c0_i32_1 = arith.constant 0 : i32
    return %c0_i32, %c0_i32_0 : i32, i32
  }
  func.func @transform_6(%arg0: i32) -> (i32, i32) {
    %c0_i32 = arith.constant 0 : i32
    %c0_i32_0 = arith.constant 0 : i32
    return %arg0, %c0_i32 : i32, i32
  }
}

</mosaic_0001>

<sc_bundles>
// kernel: kernel.7.cloned.1.call-start
scs
__scs_entry_jumppad:
0x0: {  	(pc) =	sbr.rel $0x88, $3  }
0x1: {  	(tag) =	ssettag $0x0;
	lr =	simm.s32 $0x1  }
0x2: {  	[smem:$0x3F93] =	sst lr;
	_ =	strace $0xD0000000  }
0x3: {  	_ = 	snop  }
0x4: {  	_ = 	snop  }
0x5: {  	_ = 	snop  }
0x6: {  	_ = 	snop  }
0x7: {  	_ = 	snop  }
__scs_overlays_trampoline_lowered:
0x8: {  	[smem:$0x3FA2] =	sst s0  }
0x9: {  	[smem:$0x3FA3] =	sst s1  }
0xa: {  	[smem:$0x3FA4] =	sst s2  }
0xb: {  	[smem:$0x3FA5] =	sst s3  }
0xc: {  	[smem:$0x3FA6] =	sst s4  }
0xd: {  	[smem:$0x3FA7] =	sst s5  }
0xe: {  	[smem:$0x3FA8] =	sst s6  }
0xf: {  	[smem:$0x3FA9] =	sst s7  }
0x10: {  	[smem:$0x3FAA] =	sst s8  }
0x11: {  	[smem:$0x3FAB] =	sst s9;
	s0 =	simm.s32 @!p0 $0x0  }
0x12: {  	s1 =	sld [smem:$0x3F91];
	s0 =	simm.s32 @p0 $0x1  }
0x13: {  	[smem:$0x3FAC] =	sst s0;
	s0 =	simm.s32 @!p1 $0x0  }
0x14: {  	s2 =	sld [smem:$0x3F90];
	s0 =	simm.s32 @p1 $0x1  }
0x15: {  	[smem:$0x3FAD] =	sst s0;
	s0 =	simm.s32 @!p2 $0x0  }
0x16: {  	s3 =	sld [smem:$0x3FDB];
	s0 =	simm.s32 @p2 $0x1  }
0x17: {  	s4 =	simm.s32 $0x1BF5;
	[smem:$0x3FAF] =	sst s0  }
0x18: {  	s0 =	sld [smem:$0x3F92];
	_ =	swait.ge [sflag:s4], $0x0  }
0x19: {  	s7 =	sld [smem:$0x3F93]  }
0x1a: {  	s8 =	sadd.s32 $0xFFFFE003, lr  }
0x1b: {  	s9 =	sadd.s32 $0xFFFFFEF7, lr;
	s5 =	simm.s32 $0xFFFFFFFF;
	p2 =	slt.u32 s8, $0xFFFFF086  }
0x1c: {  	p1 =	slt.u32 s9, $0xF7A;
	s5 =	simm.s32 @!p2 $0x0  }
0x1d: {  	s5 =	simm.s32 @p1 $0x1;
	p0 =	seq.s32 s7, s2  }
0x1e: {  	s7 =	smul.u32 @!p0 $0xF7A, s2;
	p2 =	seq.s32 @!p0 s5, $0x0  }
0x1f: {  	s9 =	smul.u32 $0xF7A, s1;
	s8 =	simm.s32 @!p0 $0x1BF5;
	p2 =	por !p2, p0  }
0x20: {  	[sflag:s8] =	ssyncset.s32 @!p0 $0xFFFFF086;
	s6 =	sadd.s32 @!p0 s3, s7;
	s7 =	simm.s32 @!p0 $0x108  }
0x21: {  	s3 =	sadd.s32 s3, s9;
	s6 =	sadd.s32 @!p0 $0x88, s6;
	s7 =	simm.s32 @p2 $0x1082  }
0x22: {  	[simem:s7], [sflag:s8] =	dma.local @!p0 [hbm:s6], $0xF7A  }
0x23: {  	s9 =	sor.u32 $0xD0000000, s2;
	s6 =	simm.s32 $0x108;
	_ =	swait.ge @!p0 [sflag:s8], $0x0  }
0x24: {  	s3 =	sadd.s32 $0x88, s3;
	s6 =	simm.s32 @!p1 $0x1082;
	[sflag:s4] =	ssyncset.s32 $0xFFFFF086  }
0x25: {  	[simem:s6], [sflag:s4] =	dma.local [hbm:s3], $0xF7A  }
0x26: {  	[smem:$0x3F93] =	sst s1;
	(tag) =	ssettag s2;
	_ =	strace s9  }
0x27: {  	s1 =	sld [smem:$0x3FA3]  }
0x28: {  	s2 =	sld [smem:$0x3FA4]  }
0x29: {  	s4 =	sld [smem:$0x3FA6]  }
0x2a: {  	p0 =	seq.s32 s5, $0x0;
	s5 =	sld [smem:$0x3FA7]  }
0x2b: {  	s6 =	sld [smem:$0x3FA8]  }
0x2c: {  	s7 =	sld [smem:$0x3FA9]  }
0x2d: {  	s3 =	simm.s32 $0x108;
	s8 =	sld [smem:$0x3FAA]  }
0x2e: {  	s3 =	simm.s32 @!p0 $0x1082;
	s9 =	sld [smem:$0x3FAB]  }
0x2f: {  	lr =	sadd.s32 s0, s3;
	s0 =	sld [smem:$0x3FA2]  }
0x30: {  	s3 =	sld [smem:$0x3FA5]  }
0x31: {  	[smem:$0x3FAE] =	sst s10  }
0x32: {  	s10 =	sld [smem:$0x3FAC];
	_ =	sdelay $0x3  }
0x33: {  	p0 =	seq.s32 s10, $0x1;
	s10 =	sld [smem:$0x3FAE];
	_ =	sdelay $0x3  }
0x34: {  	[smem:$0x3FAE] =	sst s10  }
0x35: {  	s10 =	sld [smem:$0x3FAD];
	_ =	sdelay $0x3  }
0x36: {  	p1 =	seq.s32 s10, $0x1;
	s10 =	sld [smem:$0x3FAE];
	_ =	sdelay $0x3  }
0x37: {  	[smem:$0x3FAE] =	sst s10  }
0x38: {  	s10 =	sld [smem:$0x3FAF]  }
0x39: {  	_ = 	snop;
	(pc) =	sbr.ind lr, $3  }
0x3a: {  	_ = 	snop  }
0x3b: {  	_ = 	snop  }
0x3c: {  	p2 =	seq.s32 s10, $0x1;
	s10 =	sld [smem:$0x3FAE]  }
0x3d: {  	_ =	shalt  }
0x3e: {  	_ =	shalt  }
0x3f: {  	_ =	shalt  }
0x40: {  	_ =	shalt  }
0x41: {  	_ =	shalt  }
0x42: {  	_ =	shalt  }
0x43: {  	_ =	shalt  }
0x44: {  	_ =	shalt  }
0x45: {  	_ =	shalt  }
0x46: {  	_ =	shalt  }
0x47: {  	_ =	shalt  }
0x48: {  	_ =	shalt  }
0x49: {  	_ =	shalt  }
0x4a: {  	_ =	shalt  }
0x4b: {  	_ =	shalt  }
0x4c: {  	_ =	shalt  }
0x4d: {  	_ =	shalt  }
0x4e: {  	_ =	shalt  }
0x4f: {  	_ =	shalt  }
0x50: {  	_ =	shalt  }
0x51: {  	_ =	shalt  }
0x52: {  	_ =	shalt  }
0x53: {  	_ =	shalt  }
0x54: {  	_ =	shalt  }
0x55: {  	_ =	shalt  }
0x56: {  	_ =	shalt  }
0x57: {  	_ =	shalt  }
0x58: {  	_ =	shalt  }
0x59: {  	_ =	shalt  }
0x5a: {  	_ =	shalt  }
0x5b: {  	_ =	shalt  }
0x5c: {  	_ =	shalt  }
0x5d: {  	_ =	shalt  }
0x5e: {  	_ =	shalt  }
0x5f: {  	_ =	shalt  }
0x60: {  	_ =	shalt  }
0x61: {  	_ =	shalt  }
0x62: {  	_ =	shalt  }
0x63: {  	_ =	shalt  }
0x64: {  	_ =	shalt  }
0x65: {  	_ =	shalt  }
0x66: {  	_ =	shalt  }
0x67: {  	_ =	shalt  }
0x68: {  	_ =	shalt  }
0x69: {  	_ =	shalt  }
0x6a: {  	_ =	shalt  }
0x6b: {  	_ =	shalt  }
0x6c: {  	_ =	shalt  }
0x6d: {  	_ =	shalt  }
0x6e: {  	_ =	shalt  }
0x6f: {  	_ =	shalt  }
0x70: {  	_ =	shalt  }
0x71: {  	_ =	shalt  }
0x72: {  	_ =	shalt  }
0x73: {  	_ =	shalt  }
0x74: {  	_ =	shalt  }
0x75: {  	_ =	shalt  }
0x76: {  	_ =	shalt  }
0x77: {  	_ =	shalt  }
0x78: {  	_ =	shalt  }
0x79: {  	_ =	shalt  }
0x7a: {  	_ =	shalt  }
0x7b: {  	_ =	shalt  }
0x7c: {  	_ =	shalt  }
0x7d: {  	_ =	shalt  }
0x7e: {  	_ =	shalt  }
0x7f: {  	_ =	shalt  }
0x80: {  	_ =	shalt  }
0x81: {  	_ =	shalt  }
0x82: {  	_ =	shalt  }
0x83: {  	_ =	shalt  }
0x84: {  	_ =	shalt  }
0x85: {  	_ =	shalt  }
0x86: {  	_ =	shalt  }
0x87: {  	_ =	shalt  }
.Lfunc_end0:
.L_simem_size_0:
called_computation.1_lowered:
.L_overlay_start_0:
0x88: {  	s2 =	sld [smem:$0x3FD9]  }
0x89: {  	s3 =	sld [smem:$0x3FFE];
	_ =	sdelay $0x1  }
0x8a: {  	s1 =	srdreg.scid  }
0x8b: {  	s0 =	sand.u32 $0x1, s1  }
0x8c: {  	s16 =	sshll.u32 s0, $0xA;
	s2 =	sadd.s32 s3, s2  }
0x8d: {  	s2 =	sadd.s32 s2, s16  }
0x8e: {  	[smem:$0x3FBA] =	sst s2  }
0x8f: {  	_ = 	snop  }
0x90: {  	(tm) =	ssettm $0x1  }
0x91: {  	s17 =	sld [smem:$0x3FFB];
	_ =	sdelay $0x3  }
0x92: {  	_ =	strace s17  }
0x93: {  	s2 =	sld [smem:$0x3FFC];
	_ =	sdelay $0x3  }
0x94: {  	_ =	strace s2  }
0x95: {  	s2 =	sld [smem:$0x3FFD];
	_ =	sdelay $0x3  }
0x96: {  	_ =	strace s2  }
0x97: {  	_ =	strace $0x8FFFFFFF  }
0x98: {  	s18 =	sld [smem:$0x3FDB];
	_ =	sdelay $0x1  }
0x99: {  	s19 =	simm.s32 $_scs_section_size  }
0x9a: {  	s4 =	simm.s32 $_size__tile_overlayer_lowered;
	s5 =	simm.s32 $_tile_overlayer_lowered  }
0x9b: {  	s22 =	simm.s32 $0x1BFF;
	s21 =	sshll.u32 s5, $0x1;
	s2 =	sadd.s32 s19, s18  }
0x9c: {  	s6 =	simm.s32 $0x0;
	s20 =	sshll.u32 s4, $0x1;
	s4 =	sadd.s32 s21, s2  }
0x9d: {  	[timem:s6], [sflag:s22] =	dma.local [hbm:s4], s20  }
0x9e: {  	_ =	swait.ge [sflag:s22], s20  }
0x9f: {  	s3 =	ssub.s32 $0x0, s20;
	[sflag:s22] =	ssyncset.done $0x0  }
0xa0: {  	[sflag:s22] =	ssyncadd.s32 s3;
	_ =	sdelay $0x1  }
0xa1: {  	s23 =	simm.s32 $0x1B8B  }
0xa2: {  	_ =	swait.ge [sflag:s23], $0x1  }
0xa3: {  	[sflag:s23] =	ssyncset.done $0x0  }
0xa4: {  	s25 =	simm.s32 $0x1B8E;
	s24 =	sld [smem:$0x3FFE];
	[sflag:s23] =	ssyncadd.s32 $0xFFFFFFFF  }
0xa5: {  	s26 =	simm.s32 $execute0_lowered;
	[smem:$0x3FD2] =	sst s25  }
0xa6: {  	s4 =	sshll.u32 s26, $0x1;
	_ =	strace $0x80000049;
	[dreg:$0x1] =	wrdreg $0xFFFFFFFF  }
0xa7: {  	s28 =	simm.s32 $_size_execute0_lowered;
	s2 =	sadd.s32 s2, s4;
	[dreg:$0x0] =	wrdreg $0x0  }
0xa8: {  	s4 =	sshll.u32 s28, $0x1;
	[dreg:$0x2] =	wrdreg s2  }
0xa9: {  	[dreg:$0x3] =	wrdreg s4  }
0xaa: {  	[dreg:$0x4] =	wrdreg $0xC0  }
0xab: {  	_ =	task [dreg:s6], $0x5FFFF  }
0xac: {  	[dreg:$0x1] =	wrdreg $0xFFFFFFFF  }
0xad: {  	[dreg:$0x0] =	wrdreg $0x60  }
0xae: {  	[dreg:$0x2] =	wrdreg s24  }
0xaf: {  	[dreg:$0x3] =	wrdreg $0x9  }
0xb0: {  	_ =	task.clear_ibuf [dreg:s6], $0x4FFFF;
	_ =	strace $0x90000049  }
0xb1: {  	s29 =	simm.s32 $0x9;
	_ =	strace $0x8000004B  }
0xb2: {  	_ =	swait.ge [sflag:s29], $0x1  }
0xb3: {  	[sflag:s29] =	ssyncadd.s32 $0xFFFFFFFF  }
0xb4: {  	_ =	strace $0x9000004B  }
0xb5: {  	_ =	sfence  }
0xb6: {  	s30 =	sld [smem:$0x0];
	_ =	sdelay $0x2  }
0xb7: {  	s31 =	sshll.u32 s1, $0xD;
	s1 =	sshrl.u32 s1, $0x2  }
0xb8: {  	s3 =	sand.u32 $0x4000, s31;
	s1 =	sadd.s32 s1, s30  }
0xb9: {  	s0 =	sor.u32 s3, s0;
	s1 =	sshll.u32 s1, $0x11  }
0xba: {  	s0 =	sor.u32 s1, s0  }
0xbb: {  	s0 =	sadd.s32 $0x8F2B, s0  }
0xbc: {  	[sflag:s0] =	ssyncadd.remote.s32 $0x1  }
0xbd: {  	_ =	sfence.sel $0xFFFF  }
0xbe: {  	[dreg:$0x0] =	wrdreg $0xFFFFFFFF;
	(pc) =	sbr.abs _section_cstart, $3  }
0xbf: {  	[dreg:$0x1] =	wrdreg $0xFFFFFFFF  }
0xc0: {  	_ =	task.clear_ibuf [dreg:s6], $0x2FFFF;
	_ =	strace $0x9FFFFFFF  }
0xc1: {  	(tm) =	ssettm $0x7FFFFFFF  }
tec
execute0_lowered:
.L_overlay_start_1:
0x0: {  	(tag) =	ssettag $0x1  }
0x1: {  	s1 =	srdreg.scid;
	s0 =	stileid.u32  }
0x2: {  	s4 =	rddreg [dreg:$0x0];
	s2 =	simm.s32 $0x0;
	s14 =	simm.s32 $0x100  }
0x3: {  	s15 =	simm.s32 $0xB400;
	s16 =	simm.s32 $0x180;
	s17 =	simm.s32 $0xF400  }
0x4: {  	s18 =	simm.s32 $0x1;
	s19 =	simm.s32 $0x2;
	s10 =	smul.u32 $0x68000, s0  }
0x5: {  	s20 =	simm.s32 $0x0;
	s5 =	sand.u32 $0x1, s1;
	s13 =	smul.u32 $0x340000, s0  }
0x6: {  	s3 =	sshll.u32 s0, $0x1;
	s1 =	rddreg [dreg:$0x1];
	s12 =	smul.u32 $0x34000, s5  }
0x7: {  	[smem:$0x7FF] =	sst s2;
	s6 =	sor.u32 s5, s3;
	s28 =	smul.u32 $0x1A0000, s5  }
0x8: {  	s11 =	sadd.s32 $0x3E00, s4;
	_ =	strace $0x8000004A;
	s7 =	smul.u32 $0x680, s6  }
0x9: {  	s3 =	sadd.s32 $0x27BD200, s4;
	s24 =	ssub.s32 $0x2, s5;
	s8 =	smul.u32 $0x1A0000, s6  }
0xa: {  	s9 =	smul.u32 $0x34000, s6;
	s25 =	sshrl.u32 s24, $0x1;
	s29 =	sadd.s32 s10, s11  }
0xb: {  	s10 =	sadd.s32 s12, s29;
	s30 =	sadd.s32 s28, s13;
	s12 =	simm.s32 $0x3400  }
0xc: {  	s13 =	simm.s32 $0x7400;
	s23 =	sadd.s32 s7, s4;
	s7 =	ssub.s32 s24, s25  }
0xd: {  	s8 =	sshrl.u32 s8, $0x3;
	s9 =	sadd.s32 s9, s11;
	s31 =	sshrl.u32 s30, $0x3  }
0xe: {  	s4 =	sadd.s32 $0x27B0200, s23;
	s26 =	sadd.s32 s11, s8;
	s5 =	smax.u32 s7, $0x1  }
0xf: {  	s7 =	sadd.s32 $0x33000, s9;
	s8 =	sadd.s32 $0x1000, s10;
	s9 =	sadd.s32 s31, s11  }
0x10: {  	s10 =	simm.s32 $0x3;
	s11 =	simm.s32 $0x80;
	s6 =	sadd.s32 $0x32000, s26  }
.LBB2_1:
0x11: {  	[tilespmem:s2], [sflag:$0x3] =	stream.linear.gather [hbm4b:s4+s2], $0x3400, $0x38;
	[tilespmem:$0x13400] =	vst v63  }
0x12: {  	_ =	swait.ge [sflag:s10], $0x3400  }
0x13: {  	[sflag:s10] =	ssyncset.done $0x0  }
0x14: {  	[sflag:s10] =	ssyncadd.s32 $0xFFFFCC00  }
0x15: {  	[tilespmem:s12], [sflag:$0x1] =	stream.indirect.gather [hbm4b:s3+s11], $0x80, s2, s11, $0xb8;
	[tilespmem:$0x13400] =	vst v63  }
0x16: {  	_ = 	snop  }
0x17: {  	[tilespmem:s13], [sflag:$0x1] =	stream.indirect.gather [hbm4b:s3+s11], $0x80, s11, s11, $0xb8;
	[tilespmem:$0x13400] =	vst v63  }
0x18: {  	_ = 	snop  }
0x19: {  	[tilespmem:s15], [sflag:$0x2] =	stream.indirect.gather [hbm4b:s3+s11], $0x80, s14, s11, $0xb8;
	[tilespmem:$0x13400] =	vst v63  }
0x1a: {  	_ = 	snop  }
0x1b: {  	[tilespmem:s17], [sflag:$0x2] =	stream.indirect.gather [hbm4b:s3+s11], $0x80, s16, s11, $0xb8;
	[tilespmem:$0x13400] =	vst v63  }
0x1c: {  	_ =	swait.ge [sflag:s18], $0x8000  }
0x1d: {  	[sflag:s18] =	ssyncset.done $0x0  }
0x1e: {  	[sflag:s18] =	ssyncadd.s32 $0xFFFF8000  }
0x1f: {  	[hbm4b:s9+s2] =	stream.linear.scatter [tilespmem:s12], [sflag:$0x3], $0x8000, $0x38;
	[tilespmem:$0x13400] =	vst v63  }
0x20: {  	_ =	swait.ge [sflag:s10], $0x8000  }
0x21: {  	[sflag:s10] =	ssyncset.done $0x0  }
0x22: {  	s21 =	simm.s32 $0x200;
	[sflag:s10] =	ssyncadd.s32 $0xFFFF8000  }
0x23: {  	[tilespmem:s12], [sflag:$0x1] =	stream.indirect.gather [hbm4b:s3+s11], $0x80, s21, s11, $0xb8;
	[tilespmem:$0x13400] =	vst v63  }
0x24: {  	s30 =	simm.s32 $0x280  }
0x25: {  	[tilespmem:s13], [sflag:$0x1] =	stream.indirect.gather [hbm4b:s3+s11], $0x80, s30, s11, $0xb8;
	[tilespmem:$0x13400] =	vst v63  }
0x26: {  	_ =	swait.ge [sflag:s19], $0x8000  }
0x27: {  	[sflag:s19] =	ssyncset.done $0x0  }
0x28: {  	[sflag:s19] =	ssyncadd.s32 $0xFFFF8000  }
0x29: {  	[hbm4b:s8+s2] =	stream.linear.scatter [tilespmem:s15], [sflag:$0x3], $0x8000, $0x38;
	[tilespmem:$0x13400] =	vst v63  }
0x2a: {  	s31 =	simm.s32 $0x300;
	_ =	swait.ge [sflag:s10], $0x8000  }
0x2b: {  	s24 =	simm.s32 $0x380;
	s22 =	sadd.s32 $0x2000, s8;
	[sflag:s10] =	ssyncset.done $0x0  }
0x2c: {  	s23 =	sadd.s32 $0x2000, s9;
	s21 =	simm.s32 $0x800;
	[sflag:s10] =	ssyncadd.s32 $0xFFFF8000  }
0x2d: {  	[tilespmem:s15], [sflag:$0x2] =	stream.indirect.gather [hbm4b:s3+s11], $0x80, s31, s11, $0xb8;
	[tilespmem:$0x13400] =	vst v63  }
.LBB2_2:
0x2e: {  	[tilespmem:s17], [sflag:$0x2] =	stream.indirect.gather [hbm4b:s3+s11], $0x80, s24, s11, $0xb8;
	[tilespmem:$0x13400] =	vst v63  }
0x2f: {  	s24 =	smov.u32 s21  }
0x30: {  	p0 =	sne.s32 s21, $0xC000;
	s21 =	sadd.s32 $0x800, s21;
	_ =	swait.ge [sflag:s18], $0x8000  }
0x31: {  	[sflag:s18] =	ssyncset.done $0x0  }
0x32: {  	[sflag:s18] =	ssyncadd.s32 $0xFFFF8000  }
0x33: {  	[hbm4b:s23+s2] =	stream.linear.scatter [tilespmem:s12], [sflag:$0x3], $0x8000, $0x38;
	[tilespmem:$0x13400] =	vst v63  }
0x34: {  	_ =	swait.ge [sflag:s10], $0x8000  }
0x35: {  	s24 =	sshra.s32 s24, $0x2;
	[sflag:s10] =	ssyncset.done $0x0  }
0x36: {  	s25 =	sadd.s32 $0x200, s24;
	[sflag:s10] =	ssyncadd.s32 $0xFFFF8000  }
0x37: {  	[tilespmem:s12], [sflag:$0x1] =	stream.indirect.gather [hbm4b:s3+s11], $0x80, s25, s11, $0xb8;
	[tilespmem:$0x13400] =	vst v63  }
0x38: {  	s25 =	sadd.s32 $0x280, s24  }
0x39: {  	[tilespmem:s13], [sflag:$0x1] =	stream.indirect.gather [hbm4b:s3+s11], $0x80, s25, s11, $0xb8;
	[tilespmem:$0x13400] =	vst v63  }
0x3a: {  	_ =	swait.ge [sflag:s19], $0x8000  }
0x3b: {  	[sflag:s19] =	ssyncset.done $0x0  }
0x3c: {  	[sflag:s19] =	ssyncadd.s32 $0xFFFF8000  }
0x3d: {  	[hbm4b:s22+s2] =	stream.linear.scatter [tilespmem:s15], [sflag:$0x3], $0x8000, $0x38;
	[tilespmem:$0x13400] =	vst v63  }
.Ltmp0:
0x3e: {  	_ =	swait.ge [sflag:s10], $0x8000;
	(pc) =	sbr.rel @p0 .LBB2_2-.Ltmp0, $4  }
0x3f: {  	[sflag:s10] =	ssyncset.done $0x0  }
0x40: {  	s25 =	sadd.s32 $0x300, s24;
	[sflag:s10] =	ssyncadd.s32 $0xFFFF8000  }
0x41: {  	[tilespmem:s15], [sflag:$0x2] =	stream.indirect.gather [hbm4b:s3+s11], $0x80, s25, s11, $0xb8;
	[tilespmem:$0x13400] =	vst v63  }
0x42: {  	s23 =	sadd.s32 $0x2000, s23;
	s24 =	sadd.s32 $0x380, s24;
	s22 =	sadd.s32 $0x2000, s22  }
0x43: {  	[tilespmem:s17], [sflag:$0x2] =	stream.indirect.gather [hbm4b:s3+s11], $0x80, s24, s11, $0xb8;
	[tilespmem:$0x13400] =	vst v63  }
0x44: {  	_ =	swait.ge [sflag:s18], $0x8000  }
0x45: {  	[sflag:s18] =	ssyncset.done $0x0  }
0x46: {  	[sflag:s18] =	ssyncadd.s32 $0xFFFF8000  }
0x47: {  	[hbm4b:s6+s2] =	stream.linear.scatter [tilespmem:s12], [sflag:$0x3], $0x8000, $0x38;
	[tilespmem:$0x13400] =	vst v63  }
0x48: {  	_ =	swait.ge [sflag:s10], $0x8000  }
0x49: {  	[sflag:s10] =	ssyncset.done $0x0  }
0x4a: {  	[sflag:s10] =	ssyncadd.s32 $0xFFFF8000  }
0x4b: {  	s20 =	sadd.s32 $0x1, s20;
	_ =	swait.ge [sflag:s19], $0x8000  }
0x4c: {  	p0 =	sne.s32 s20, s5;
	[sflag:s19] =	ssyncset.done $0x0  }
.Ltmp1:
0x4d: {  	[sflag:s19] =	ssyncadd.s32 $0xFFFF8000;
	(pc) =	sbr.rel @p0 .LBB2_1-.Ltmp1, $4  }
0x4e: {  	[hbm4b:s7+s2] =	stream.linear.scatter [tilespmem:s15], [sflag:$0x3], $0x8000, $0x38;
	[tilespmem:$0x13400] =	vst v63  }
0x4f: {  	_ =	swait.ge [sflag:s10], $0x8000  }
0x50: {  	[sflag:s10] =	ssyncset.done $0x0  }
0x51: {  	[sflag:s10] =	ssyncadd.s32 $0xFFFF8000  }
0x52: {  	_ =	sfence.sel $0x180000  }
0x53: {  	[bflag:$0x0] =	sbarrier.arrive $0xFFFF  }
0x54: {  	p0 =	sne.s32 s0, $0x0;
	_ =	strace $0x9000004A  }
0x55: {  	s0 =	sadd.s32 @!p0 $0x100000, s1;
	[bflag:$0x2] =	sbarrier.arrive $0xFFFF  }
0x56: {  	[sflag:s0] =	ssyncadd.tile.s32 @!p0 $0x1;
	_ =	shalt  }
.Lfunc_end2:
_tile_overlayer_lowered:
.L_overlay_start_2:
0x57: {  	(tag) =	ssettag $0x2  }
0x58: {  	s0 =	rddreg [dreg:$0x0];
	s2 =	stileid.u32  }
0x59: {  	s1 =	rddreg [dreg:$0x1];
	p0 =	sne.s32 s2, $0x0  }
0x5a: {  	s3 =	rddreg [dreg:$0x2];
	[bflag:$0x3] =	sbarrier.arrive $0xFFFF;
	s2 =	simm.s32 @!p0 $0x1C03  }
0x5b: {  	[timem:s3], [sflag:s2] =	dma.local @!p0 [hbm:s0], s1  }
0x5c: {  	s0 =	simm.s32 @!p0 $0x3  }
0x5d: {  	_ =	swait.ge @!p0 [sflag:s0], s1  }
0x5e: {  	s1 =	ssub.s32 @!p0 $0x0, s1;
	[sflag:s0] =	ssyncset.done @!p0 $0x0  }
0x5f: {  	[sflag:s0] =	ssyncadd.s32 @!p0 s1  }
0x60: {  	[bflag:$0x3] =	sbarrier.arrive $0xFFFF  }
0x61: {  	_ =	shalt  }

// kernel: sparse-core-data-format-call.cloned.1.call-start
scs
called_computation_lowered:
.L_overlay_start_0:
0x0: {  	s2 =	sld [smem:$0x3FD9]  }
0x1: {  	s3 =	sld [smem:$0x3FFE];
	_ =	sdelay $0x1  }
0x2: {  	s1 =	srdreg.scid  }
0x3: {  	s0 =	sand.u32 $0x1, s1  }
0x4: {  	s18 =	sshll.u32 s0, $0xA;
	s2 =	sadd.s32 s3, s2  }
0x5: {  	s2 =	sadd.s32 s2, s18  }
0x6: {  	[smem:$0x3FBA] =	sst s2  }
0x7: {  	_ = 	snop  }
0x8: {  	s2 =	sld [smem:$0x3FC8];
	(tm) =	ssettm $0x1  }
0x9: {  	s19 =	sld [smem:$0x3FFB];
	_ =	sdelay $0x3  }
0xa: {  	_ =	strace s19  }
0xb: {  	s3 =	sld [smem:$0x3FFC];
	_ =	sdelay $0x3  }
0xc: {  	_ =	strace s3  }
0xd: {  	s3 =	sld [smem:$0x3FFD];
	_ =	sdelay $0x3  }
0xe: {  	_ =	strace s3  }
0xf: {  	_ =	strace $0x8FFFFFFF  }
0x10: {  	s20 =	sld [smem:$0x3FDB];
	_ =	sdelay $0x1  }
0x11: {  	s4 =	simm.s32 $_scs_section_size  }
0x12: {  	s5 =	simm.s32 $_size__tile_overlayer_lowered;
	s6 =	simm.s32 $_tile_overlayer_lowered  }
0x13: {  	s23 =	simm.s32 $0x1BFF;
	s22 =	sshll.u32 s6, $0x1;
	s3 =	sadd.s32 s4, s20  }
0x14: {  	s7 =	simm.s32 $0x0;
	s21 =	sshll.u32 s5, $0x1;
	s5 =	sadd.s32 s22, s3  }
0x15: {  	[timem:s7], [sflag:s23] =	dma.local [hbm:s5], s21  }
0x16: {  	_ =	swait.ge [sflag:s23], s21  }
0x17: {  	s4 =	ssub.s32 $0x0, s21;
	[sflag:s23] =	ssyncset.done $0x0  }
0x18: {  	[sflag:s23] =	ssyncadd.s32 s4;
	_ =	sdelay $0x1  }
0x19: {  	s24 =	simm.s32 $0x1B8B  }
0x1a: {  	_ =	swait.ge [sflag:s24], $0x1  }
0x1b: {  	[sflag:s24] =	ssyncset.done $0x0  }
0x1c: {  	s26 =	simm.s32 $0x1B8E;
	s25 =	sld [smem:$0x3FFE];
	[sflag:s24] =	ssyncadd.s32 $0xFFFFFFFF  }
0x1d: {  	s27 =	simm.s32 $execute0_lowered;
	[smem:$0x3FD2] =	sst s26  }
0x1e: {  	s5 =	sshll.u32 s27, $0x1;
	_ =	strace $0x80000046;
	[dreg:$0x1] =	wrdreg $0xFFFFFFFF  }
0x1f: {  	s28 =	simm.s32 $_size_execute0_lowered;
	s3 =	sadd.s32 s3, s5;
	[dreg:$0x0] =	wrdreg $0x0  }
0x20: {  	s5 =	sshll.u32 s28, $0x1;
	[dreg:$0x2] =	wrdreg s3  }
0x21: {  	[dreg:$0x3] =	wrdreg s5  }
0x22: {  	[dreg:$0x4] =	wrdreg $0xC0  }
0x23: {  	_ =	task [dreg:s7], $0x5FFFF  }
0x24: {  	[dreg:$0x1] =	wrdreg $0xFFFFFFFF  }
0x25: {  	[dreg:$0x0] =	wrdreg $0x60  }
0x26: {  	[dreg:$0x2] =	wrdreg s2  }
0x27: {  	[dreg:$0x3] =	wrdreg s25  }
0x28: {  	[dreg:$0x4] =	wrdreg $0x9  }
0x29: {  	_ =	task.clear_ibuf [dreg:s7], $0x5FFFF;
	_ =	strace $0x90000046  }
0x2a: {  	s29 =	simm.s32 $0x9;
	_ =	strace $0x80000048  }
0x2b: {  	_ =	swait.ge [sflag:s29], $0x1  }
0x2c: {  	[sflag:s29] =	ssyncadd.s32 $0xFFFFFFFF  }
0x2d: {  	_ =	strace $0x90000048  }
0x2e: {  	_ =	sfence  }
0x2f: {  	s30 =	sld [smem:$0x0];
	_ =	sdelay $0x2  }
0x30: {  	s31 =	sshll.u32 s1, $0xD;
	s1 =	sshrl.u32 s1, $0x2  }
0x31: {  	s3 =	sand.u32 $0x4000, s31;
	s1 =	sadd.s32 s1, s30  }
0x32: {  	s0 =	sor.u32 s3, s0;
	s1 =	sshll.u32 s1, $0x11  }
0x33: {  	s0 =	sor.u32 s1, s0  }
0x34: {  	s0 =	sadd.s32 $0x8F2B, s0  }
0x35: {  	[sflag:s0] =	ssyncadd.remote.s32 $0x1  }
0x36: {  	_ =	sfence.sel $0xFFFF  }
0x37: {  	[dreg:$0x0] =	wrdreg $0xFFFFFFFF;
	(pc) =	sbr.abs _section_cstart, $3  }
0x38: {  	[dreg:$0x1] =	wrdreg $0xFFFFFFFF  }
0x39: {  	_ =	task.clear_ibuf [dreg:s7], $0x2FFFF;
	_ =	strace $0x9FFFFFFF  }
0x3a: {  	(tm) =	ssettm $0x7FFFFFFF  }
0x3b: {  	_ =	shalt  }
tec
execute0_lowered:
.L_overlay_start_1:
0x0: {  	(tag) =	ssettag $0x1  }
0x1: {  	s0 =	srdreg.scid  }
0x2: {  	s0 =	sshll.u32 s0, $0x4  }
0x3: {  	s1 =	stileid.u32;
	s0 =	sand.u32 $0x10, s0  }
0x4: {  	s28 =	rddreg [dreg:$0x1];
	s0 =	sor.u32 s1, s0  }
0x5: {  	_ =	strace $0x80000047;
	s2 =	simm.s32 $0x1;
	s3 =	sshll.u32 s0, $0x8  }
0x6: {  	s30 =	simm.s32 $0x2;
	s16 =	simm.s32 $0x0;
	s29 =	ssub.s32 $0x18600, s3  }
0x7: {  	s17 =	simm.s32 $0x0;
	s18 =	simm.s32 $0x0;
	s1 =	sshrl.u32 s29, $0xD  }
0x8: {  	s9 =	simm.s32 $0x0;
	s10 =	simm.s32 $0x0;
	s1 =	smul.u32 $0x1A, s1  }
.Ltmp0:
0x9: {  	s12 =	simm.s32 $0x0;
	s0 =	sadd.s32 $0x3E00, s28;
	(pc) =	sbr.rel .LBB1_1-.Ltmp0, $4  }
0xa: {  	s13 =	simm.s32 $0x0;
	s14 =	simm.s32 $0x0;
	[dreg:$0x7] =	wrdreg s0  }
0xb: {  	s15 =	simm.s32 $0x0;
	[dreg:$0x6] =	wrdreg s3;
	s31 =	sadd.s32 $0x1A, s1  }
0xc: {  	[sflag:s2] =	ssyncpa.u1 $0x0;
	s8 =	sadd.s32 $0x1B, s1;
	[dreg:$0x8] =	wrdreg s31  }
0xd: {  	[sflag:s30] =	ssyncpa.u1 $0x0;
	s11 =	smov.u32 s3;
	[dreg:$0x9] =	wrdreg s8  }
.LBB1_16:
0xe: {  	s9 =	rddreg [dreg:$0xa]  }
0xf: {  	s10 =	rddreg [dreg:$0xb]  }
0x10: {  	s3 =	rddreg [dreg:$0x15]  }
0x11: {  	s5 =	rddreg [dreg:$0x16]  }
0x12: {  	s23 =	rddreg [dreg:$0x14]  }
0x13: {  	s12 =	rddreg [dreg:$0xd]  }
0x14: {  	s26 =	rddreg [dreg:$0x7]  }
0x15: {  	s29 =	rddreg [dreg:$0x17]  }
0x16: {  	s8 =	rddreg [dreg:$0x9]  }
0x17: {  	s11 =	rddreg [dreg:$0xc]  }
0x18: {  	s13 =	rddreg [dreg:$0xe]  }
0x19: {  	s14 =	rddreg [dreg:$0xf]  }
0x1a: {  	s15 =	rddreg [dreg:$0x10]  }
0x1b: {  	s16 =	rddreg [dreg:$0x11]  }
0x1c: {  	s17 =	rddreg [dreg:$0x12]  }
0x1d: {  	s31 =	simm.s32 $0x80;
	s18 =	rddreg [dreg:$0x13]  }
0x1e: {  	s0 =	sshll.u32 s9, $0x7;
	s1 =	sshll.u32 s10, $0x3;
	p0 =	sgt.s32 s10, $0x40  }
0x1f: {  	s24 =	smul.u32 $0x186A00, s12;
	s2 =	sand.u32 $0xFFFFFC00, s0;
	s1 =	sand.u32 $0xFFFFFC00, s1  }
0x20: {  	s0 =	sand.u32 $0x380, s0;
	s1 =	sadd.s32 s1, s2;
	s2 =	smov.u32 s10  }
0x21: {  	s0 =	sor.u32 s0, s1;
	s2 =	simm.s32 @!p0 $0x40;
	p0 =	sgt.s32 s9, $0x185A0  }
0x22: {  	s1 =	smov.u32 s9;
	s0 =	sshrl.u32 s0, $0x7;
	s2 =	sadd.s32 s3, s2  }
0x23: {  	s1 =	simm.s32 @!p0 $0x185A0;
	s21 =	smulhi.u32 $0x14F8B59, s0;
	s4 =	sadd.s32 $0xFFFFFFC0, s2  }
0x24: {  	s1 =	sadd.s32 s5, s1;
	s2 =	ssub.s32 $0x80, s2;
	p0 =	sgt.s32 s4, $0x3F  }
0x25: {  	s22 =	sadd.s32 $0xFFFE7A60, s1;
	s1 =	ssub.s32 $0x186A0, s1;
	s2 =	simm.s32 @p0 $0x0  }
0x26: {  	s3 =	sshrl.u32 s21, $0x9;
	p0 =	sgt.s32 s22, $0xFF;
	s2 =	smul.u32 s23, s2  }
0x27: {  	s27 =	sand.u32 $0x7, s10;
	s3 =	smul.u32 $0x186A0, s3;
	s1 =	simm.s32 @p0 $0x0  }
0x28: {  	s25 =	sshrl.u32 s10, $0x3;
	s28 =	sshll.u32 s27, $0x12;
	s1 =	smul.u32 s1, s2  }
0x29: {  	s0 =	ssub.s32 s0, s3;
	s3 =	sand.u32 $0xF, s25;
	s2 =	sadd.s32 s26, s24  }
0x2a: {  	s30 =	sor.u32 $0x40, s28;
	s0 =	sshll.u32 s0, $0x4;
	s2 =	sadd.s32 s3, s2  }
0x2b: {  	s4 =	sor.u32 $0x8000, s29;
	s1 =	sand.u32 $0x3FFFFFFF, s1;
	s0 =	sadd.s32 s0, s2  }
0x2c: {  	[hbm4b:s0+s30] =	stream.strided.scatter [tilespmem:s4], [sflag:$0x2], s1, s31, s30, $0x18;
	[tilespmem:$0x10200] =	vst v63  }
.LBB1_17:
0x2d: {  	p0 =	slt.u32 s15, $0x2;
	s0 =	smov.u32 s18;
	s2 =	smov.u32 s17  }
0x2e: {  	p1 =	sgt.s32 @!p0 s18, $0x19;
	s1 =	sshra.s32 @!p0 s18, $0x1F;
	p2 =	sgt.s32 @!p0 s16, $0x185A0  }
0x2f: {  	p3 =	sgt.s32 @!p0 s17, $0x40;
	s3 =	sshra.s32 @!p0 s17, $0x1F;
	p1 =	por !p1, p0  }
0x30: {  	s1 =	sand.u32 @!p0 s1, s18;
	p2 =	por !p2, p0;
	p3 =	por !p3, p0  }
0x31: {  	s3 =	sand.u32 @!p0 s3, s17;
	s0 =	simm.s32 @p1 $0x19;
	s2 =	simm.s32 @p3 $0x40  }
0x32: {  	s0 =	ssub.s32 @!p0 s0, s1;
	s2 =	ssub.s32 @!p0 s2, s3;
	s3 =	sshra.s32 @!p0 s16, $0x1F  }
0x33: {  	s1 =	sadd.s32 @!p0 $0xFFFFFFE7, s0;
	s0 =	ssub.s32 @!p0 $0x1A, s0;
	s3 =	sand.u32 @!p0 s3, s16  }
0x34: {  	s4 =	sadd.s32 @!p0 $0xFFFFFFC0, s2;
	p1 =	sgt.s32 @!p0 s1, $0x0;
	s1 =	smov.u32 s16  }
0x35: {  	s2 =	ssub.s32 @!p0 $0x80, s2;
	s1 =	simm.s32 @p2 $0x185A0;
	p1 =	por !p1, p0  }
0x36: {  	s0 =	simm.s32 @!p1 $0x0;
	s1 =	ssub.s32 @!p0 s1, s3;
	p1 =	sgt.s32 @!p0 s4, $0x3F  }
0x37: {  	s4 =	smov.u32 s13;
	s3 =	sadd.s32 @!p0 $0xFFFE7A60, s1;
	p1 =	por !p1, p0  }
0x38: {  	s1 =	ssub.s32 @!p0 $0x186A0, s1;
	s2 =	simm.s32 @!p1 $0x0;
	p1 =	sgt.s32 @!p0 s3, $0xFF  }
0x39: {  	p1 =	por !p1, p0;
	s0 =	smul.u32 @!p0 s0, s2;
	s2 =	sadd.s32 $0x2000, s11  }
0x3a: {  	s3 =	sadd.s32 $0x40, s13;
	s1 =	simm.s32 @!p1 $0x0;
	p1 =	sgt.s32 s2, $0x1869F  }
0x3b: {  	s0 =	smul.u32 @!p0 s1, s0;
	s4 =	smov.u32 @p1 s3;
	s1 =	rddreg [dreg:$0x6]  }
0x3c: {  	s2 =	smov.u32 @p1 s1;
	p1 =	sgt.s32 s4, $0x31;
	s1 =	simm.s32 $0x1  }
0x3d: {  	s1 =	simm.s32 @!p1 $0x0  }
0x3e: {  	s1 =	sadd.s32 s1, s14  }
0x3f: {  	s17 =	smov.u32 s10;
	s4 =	simm.s32 @p1 $0x0;
	p1 =	sgt.s32 s1, $0x19  }
0x40: {  	s18 =	smov.u32 s12;
	s1 =	simm.s32 @p1 $0x0;
	p1 =	sne.s32 s15, s8  }
.Ltmp1:
0x41: {  	s10 =	smov.u32 s13;
	s12 =	smov.u32 s14;
	(pc) =	sbr.rel @!p1 .LBB1_18-.Ltmp1, $4  }
0x42: {  	s16 =	smov.u32 s9;
	s3 =	simm.s32 @!p0 $0x2;
	s0 =	sand.u32 @!p0 $0x3FFFFFFF, s0  }
0x43: {  	s9 =	smov.u32 s11;
	s11 =	smov.u32 s2;
	_ =	swait.ge @!p0 [sflag:s3], s0  }
0x44: {  	s0 =	ssub.s32 @!p0 $0x0, s0;
	s13 =	smov.u32 s4;
	[sflag:s3] =	ssyncset.done @!p0 $0x0  }
0x45: {  	s15 =	sadd.s32 $0x1, s15;
	[sflag:s3] =	ssyncadd.s32 @!p0 s0;
	s14 =	smov.u32 s1  }
.LBB1_1:
0x46: {  	s0 =	rddreg [dreg:$0x8]  }
0x47: {  	p0 =	sge.u32 s15, s0  }
.Ltmp2:
0x48: {  	_ = 	snop;
	(pc) =	sbr.rel @p0 .LBB1_3-.Ltmp2, $1  }
0x49: {  	_ =	sdelay $0x3  }
0x4a: {  	s0 =	sshrl.u32 s13, $0x3;
	s1 =	sshll.u32 s11, $0x3;
	s20 =	sshll.u32 s13, $0x7  }
0x4b: {  	p0 =	sgt.s32 s14, $0x19;
	s2 =	smov.u32 s14;
	s3 =	sshra.s32 s14, $0x1F  }
0x4c: {  	s22 =	sand.u32 $0x7F, s11;
	s5 =	sshra.s32 s13, $0x1F;
	s29 =	smul.u32 $0xAB100, s14  }
0x4d: {  	s6 =	sshra.s32 s11, $0x1F;
	s28 =	sxor.u32 $0xFFFFFFFF, s15;
	s0 =	smul.u32 $0xC3800, s0  }
0x4e: {  	s30 =	rddreg [dreg:$0x0];
	s1 =	sand.u32 $0xFFFFFC00, s1;
	s2 =	simm.s32 @!p0 $0x19  }
0x4f: {  	s21 =	sand.u32 s3, s14;
	s0 =	sadd.s32 s0, s1;
	s1 =	sand.u32 $0x380, s20  }
0x50: {  	s5 =	sand.u32 s5, s13;
	s0 =	sor.u32 s1, s0;
	s1 =	ssub.s32 s2, s21  }
0x51: {  	s6 =	sand.u32 s6, s11;
	s4 =	smulhi.u32 $0xA79C7B17, s0;
	s2 =	sadd.s32 $0xFFFFFFE7, s1  }
0x52: {  	s0 =	sor.u32 s22, s0;
	s1 =	ssub.s32 $0x1A, s1;
	p0 =	sgt.s32 s2, $0x0  }
0x53: {  	s2 =	smov.u32 s13;
	s1 =	simm.s32 @p0 $0x0;
	p0 =	sgt.s32 s13, $0xFFFFFFF8  }
0x54: {  	s24 =	smulhi.u32 $0xA79C7B17, s0;
	s23 =	sshrl.u32 s4, $0x13;
	s2 =	simm.s32 @!p0 $0xFFFFFFF8  }
0x55: {  	s3 =	smul.u32 $0x2493, s23;
	p0 =	sgt.s32 s11, $0x18600;
	s2 =	ssub.s32 s2, s5  }
0x56: {  	s27 =	sshrl.u32 s24, $0x10;
	s5 =	smov.u32 s11;
	s7 =	sadd.s32 $0x8, s2  }
0x57: {  	s5 =	simm.s32 @!p0 $0x18600;
	s2 =	ssub.s32 $0x38, s2;
	p0 =	sgt.s32 s7, $0x3F  }
0x58: {  	s26 =	sshrl.u32 s3, $0x10;
	s3 =	smul.u32 $0x18700, s27;
	s2 =	simm.s32 @p0 $0x0  }
0x59: {  	s31 =	simm.s32 $0xC3800;
	s5 =	ssub.s32 s5, s6;
	s1 =	smul.u32 s1, s2  }
0x5a: {  	s4 =	sshrl.u32 s4, $0x10;
	s25 =	sadd.s32 $0xFFFE7A00, s5;
	s2 =	smul.u32 $0x38, s26  }
0x5b: {  	s5 =	ssub.s32 $0x18700, s5;
	s0 =	ssub.s32 s0, s3;
	p0 =	sgt.s32 s25, $0xFF  }
0x5c: {  	s3 =	sshrl.u32 s0, $0x3;
	s5 =	simm.s32 @p0 $0x0;
	s2 =	ssub.s32 s4, s2  }
0x5d: {  	s0 =	sand.u32 $0x7, s0;
	s1 =	smul.u32 s5, s1;
	s2 =	sand.u32 $0xFFFF, s2  }
0x5e: {  	s0 =	sshll.u32 s0, $0x12;
	s5 =	sadd.s32 s30, s29;
	s2 =	smul.u32 $0x30E0, s2  }
0x5f: {  	s4 =	sshll.u32 s28, $0xE;
	s0 =	sor.u32 $0x800, s0;
	s3 =	sadd.s32 s3, s5  }
0x60: {  	s4 =	sand.u32 $0x4000, s4;
	s1 =	sand.u32 $0x3FFFFFFF, s1;
	s2 =	sadd.s32 s2, s3  }
0x61: {  	[tilespmem:s4], [sflag:$0x1] =	stream.strided.gather [hbm4b:s2+s0], s1, s31, s0, $0x38;
	[tilespmem:$0x10200] =	vst v63  }
.LBB1_3:
0x62: {  	p0 =	seq.s32 s15, $0x0  }
0x63: {  	p1 =	sge.u32 @!p0 s15, s8  }
0x64: {  	p0 =	por p0, p1  }
.Ltmp3:
0x65: {  	_ = 	snop;
	(pc) =	sbr.rel @p0 .LBB1_17-.Ltmp3, $1  }
0x66: {  	_ =	sdelay $0x3  }
0x67: {  	[dreg:$0x13] =	wrdreg s18  }
0x68: {  	[dreg:$0x12] =	wrdreg s17  }
0x69: {  	[dreg:$0x11] =	wrdreg s16  }
0x6a: {  	[dreg:$0xf] =	wrdreg s14  }
0x6b: {  	[dreg:$0xe] =	wrdreg s13  }
0x6c: {  	[dreg:$0xc] =	wrdreg s11;
	p0 =	sgt.s32 s12, $0x19  }
0x6d: {  	s0 =	smov.u32 s12;
	s1 =	sshra.s32 s12, $0x1F;
	s25 =	ssub.s32 $0x0, s10  }
0x6e: {  	s2 =	sshra.s32 s10, $0x1F;
	s3 =	smov.u32 s10;
	p1 =	sgt.s32 s9, $0x18600  }
0x6f: {  	s27 =	ssub.s32 $0x0, s9;
	[dreg:$0xa] =	wrdreg s9;
	s28 =	sshra.s32 s9, $0x1F  }
0x70: {  	[dreg:$0xd] =	wrdreg s12;
	s0 =	simm.s32 @!p0 $0x19;
	s1 =	sand.u32 s1, s12  }
0x71: {  	p0 =	sgt.s32 s10, $0xFFFFFFF8;
	s29 =	sand.u32 s27, s28;
	s0 =	ssub.s32 s0, s1  }
0x72: {  	s1 =	sand.u32 s25, s2;
	s3 =	simm.s32 @!p0 $0xFFFFFFF8;
	s2 =	smov.u32 s9  }
0x73: {  	s4 =	sadd.s32 $0xFFFFFFE7, s0;
	[dreg:$0x15] =	wrdreg s1;
	s1 =	sadd.s32 s1, s3  }
0x74: {  	s5 =	ssub.s32 $0x1A, s0;
	s2 =	simm.s32 @!p1 $0x18600;
	p0 =	sgt.s32 s4, $0x0  }
0x75: {  	s26 =	sadd.s32 $0x8, s1;
	s0 =	ssub.s32 $0x38, s1;
	s1 =	sadd.s32 s29, s2  }
0x76: {  	[dreg:$0xb] =	wrdreg s10;
	s5 =	simm.s32 @p0 $0x0;
	s2 =	sadd.s32 $0xFFFE7A00, s1  }
0x77: {  	s1 =	ssub.s32 $0x18700, s1;
	p0 =	sgt.s32 s2, $0xFF;
	s2 =	sadd.s32 $0x1, s12  }
0x78: {  	s3 =	sadd.s32 $0x40, s10;
	s1 =	simm.s32 @p0 $0x0;
	p0 =	slt.s32 s2, $0x1A  }
0x79: {  	p1 =	sgt.s32 s26, $0x3F;
	s2 =	simm.s32 @!p0 $0x1A;
	p0 =	slt.s32 s3, $0x32  }
0x7a: {  	s0 =	simm.s32 @p1 $0x0;
	s2 =	ssub.s32 s2, s12;
	s3 =	simm.s32 @!p0 $0x32  }
0x7b: {  	s0 =	smul.u32 s5, s0;
	s25 =	ssub.s32 s3, s10;
	p0 =	slt.s32 s2, $0x1  }
0x7c: {  	[dreg:$0x10] =	wrdreg s15;
	p1 =	slt.s32 @!p0 s25, $0x1  }
0x7d: {  	[dreg:$0x16] =	wrdreg s29;
	s0 =	smul.u32 s1, s0;
	p1 =	por p0, p1  }
.Ltmp4:
0x7e: {  	s30 =	simm.s32 $0x1;
	[dreg:$0x14] =	wrdreg s5;
	(pc) =	sbr.rel @p1 .LBB1_16-.Ltmp4, $4  }
0x7f: {  	[dreg:$0x18] =	wrdreg s2;
	s1 =	sand.u32 $0x3FFFFFFF, s0;
	s0 =	sand.u32 $0x1, s15  }
0x80: {  	_ =	swait.ge [sflag:s30], s1;
	s31 =	smul.u32 $0x4100, s0  }
0x81: {  	s1 =	ssub.s32 $0x0, s1;
	[sflag:s30] =	ssyncset.done $0x0  }
0x82: {  	[sflag:s30] =	ssyncadd.s32 s1;
	[dreg:$0x17] =	wrdreg s31  }
0x83: {  	s2 =	rddreg [dreg:$0xa]  }
0x84: {  	s1 =	sadd.s32 $0x100, s2  }
0x85: {  	p1 =	slt.s32 s1, $0x186A0  }
0x86: {  	s28 =	sshll.u32 @!p0 s0, $0xE;
	s1 =	simm.s32 @!p1 $0x186A0  }
.Ltmp5:
0x87: {  	s0 =	rddreg [dreg:$0x17];
	s1 =	ssub.s32 s1, s2;
	(pc) =	sbr.rel .LBB1_6-.Ltmp5, $4  }
0x88: {  	s0 =	sor.u32 @!p0 $0x8000, s0;
	s1 =	sadd.s32 $0xF, s1  }
0x89: {  	s3 =	simm.s32 $0x0;
	[dreg:$0x19] =	wrdreg s0;
	s30 =	sshll.u32 s1, $0x3  }
0x8a: {  	s26 =	sand.u32 $0xFFFFFFF0, s1;
	s27 =	sand.u32 @!p0 $0xFFFFFF00, s1;
	s31 =	sand.u32 $0xFFFFF800, s30  }
0x8b: {  	p0 =	slt.s32 s1, $0x100;
	p1 =	sge.s32 s27, s26;
	[dreg:$0x1a] =	wrdreg s31  }
.LBB1_15:
0x8c: {  	s3 =	rddreg [dreg:$0x1b]  }
0x8d: {  	s0 =	rddreg [dreg:$0x18];
	s3 =	sadd.s32 $0x1, s3  }
0x8e: {  	p2 =	sne.s32 s3, s0  }
.Ltmp6:
0x8f: {  	_ = 	snop;
	(pc) =	sbr.rel @!p2 .LBB1_16-.Ltmp6, $1  }
0x90: {  	_ =	sdelay $0x3  }
.LBB1_6:
0x91: {  	s0 =	smul.u32 $0x10400, s3;
	s30 =	sshll.u32 s3, $0xE  }
.Ltmp7:
0x92: {  	v0 =	vmov s30;
	(pc) =	sbr.rel .LBB1_7-.Ltmp7, $4  }
0x93: {  	s2 =	sshll.u32 s3, $0x10  }
0x94: {  	s1 =	rddreg [dreg:$0x19];
	s31 =	sshra.s32 s2, $0x2;
	s0 =	sshra.s32 s0, $0x2  }
0x95: {  	[dreg:$0x1b] =	wrdreg s3;
	s1 =	sadd.s32 s0, s1;
	s0 =	sadd.s32 s31, s28  }
0x96: {  	s29 =	simm.s32 $0x0;
	s8 =	simm.s32 $0x0;
	[dreg:$0x1c] =	wrdreg s0  }
.LBB1_14:
0x97: {  	s8 =	sadd.s32 $0x1, s8  }
0x98: {  	p2 =	sne.s32 s8, s25  }
.Ltmp8:
0x99: {  	_ = 	snop;
	(pc) =	sbr.rel @!p2 .LBB1_15-.Ltmp8, $2  }
0x9a: {  	_ =	sdelay $0x2  }
0x9b: {  	s29 =	sadd.s32 $0x100, s29  }
.LBB1_7:
.Ltmp9:
0x9c: {  	(pc) =	sbr.rel @p0 .LBB1_11-.Ltmp9, $2  }
0x9d: {  	_ =	sdelay $0x2  }
0x9e: {  	s9 =	sshll.u32 s8, $0x7  }
0x9f: {  	s7 =	sshll.u32 s8, $0x3  }
0xa0: {  	s2 =	sshll.u32 s8, $0x8;
	s5 =	sand.u32 $0x300, s9;
	s14 =	sand.u32 $0x7F, s8  }
0xa1: {  	s10 =	sshrl.u32 s7, $0x7;
	s6 =	sadd.s32 $0x800, s7;
	s12 =	sadd.s32 $0x1000, s7  }
0xa2: {  	s13 =	sadd.s32 $0x1800, s7;
	s17 =	sadd.s32 $0x2000, s7;
	s20 =	sadd.s32 $0x2800, s7  }
0xa3: {  	s11 =	sand.u32 $0xF8, s10;
	s6 =	sshrl.u32 s6, $0x7;
	s12 =	sshrl.u32 s12, $0x7  }
0xa4: {  	s13 =	sshrl.u32 s13, $0x7;
	s3 =	smul.u32 $0x104, s11;
	s6 =	sand.u32 $0xF8, s6  }
0xa5: {  	s19 =	sshrl.u32 s17, $0x7;
	s12 =	sand.u32 $0xF8, s12;
	s6 =	smul.u32 $0x104, s6  }
0xa6: {  	s0 =	sadd.s32 $0x90, s10;
	s13 =	sand.u32 $0xF8, s13;
	s12 =	smul.u32 $0x104, s12  }
0xa7: {  	s11 =	sxor.u32 $0x80, s11;
	s13 =	smul.u32 $0x104, s13;
	s3 =	sshrl.u32 s3, $0x2  }
0xa8: {  	s11 =	smul.u32 $0x104, s11;
	s3 =	sadd.s32 s3, s1;
	s6 =	sshrl.u32 s6, $0x2  }
0xa9: {  	s12 =	sshrl.u32 s12, $0x2;
	s16 =	sshrl.u32 s13, $0x2;
	s13 =	sshrl.u32 s20, $0x7  }
0xaa: {  	s11 =	sshrl.u32 s11, $0x2;
	s3 =	sadd.s32 s14, s3;
	s6 =	sadd.s32 s6, s1  }
0xab: {  	s15 =	sadd.s32 s12, s1;
	s18 =	sadd.s32 s16, s1;
	s12 =	sand.u32 $0xF8, s19  }
0xac: {  	s13 =	sand.u32 $0xF8, s13;
	s11 =	sadd.s32 s11, s1;
	s19 =	sadd.s32 $0xC0, s10  }
0xad: {  	[dreg:$0x3] =	wrdreg s3;
	s3 =	sadd.s32 s14, s6;
	s12 =	smul.u32 $0x104, s12  }
0xae: {  	s13 =	smul.u32 $0x104, s13;
	[dreg:$0x4] =	wrdreg s3;
	s3 =	sadd.s32 s14, s15  }
0xaf: {  	s15 =	sadd.s32 $0x3000, s7;
	s7 =	sadd.s32 $0x3800, s7;
	[dreg:$0x5] =	wrdreg s3  }
0xb0: {  	s3 =	sadd.s32 s14, s18;
	s15 =	sshrl.u32 s15, $0x7;
	s7 =	sshrl.u32 s7, $0x7  }
0xb1: {  	s12 =	sshrl.u32 s12, $0x2;
	s13 =	sshrl.u32 s13, $0x2;
	s15 =	sand.u32 $0xF8, s15  }
0xb2: {  	s7 =	sand.u32 $0xF8, s7;
	s12 =	sadd.s32 s12, s1;
	s15 =	smul.u32 $0x104, s15  }
0xb3: {  	s21 =	sadd.s32 s13, s1;
	s13 =	sadd.s32 $0xA0, s10;
	s16 =	smul.u32 $0x104, s7  }
0xb4: {  	s7 =	sadd.s32 s14, s12;
	s23 =	sadd.s32 s14, s21;
	s12 =	sand.u32 $0xF8, s0  }
0xb5: {  	s22 =	sshrl.u32 s15, $0x2;
	s30 =	sshrl.u32 s16, $0x2;
	s16 =	sor.u32 $0x400, s2  }
0xb6: {  	s2 =	smul.u32 $0x104, s12;
	s12 =	sand.u32 $0xF8, s13;
	s15 =	sadd.s32 $0xB0, s10  }
0xb7: {  	s24 =	sadd.s32 s22, s1;
	s31 =	sadd.s32 s30, s1;
	s12 =	smul.u32 $0x104, s12  }
0xb8: {  	s22 =	sadd.s32 s14, s11;
	s17 =	sand.u32 $0xF8, s15;
	s30 =	sadd.s32 $0xE0, s10  }
0xb9: {  	s21 =	sadd.s32 s14, s24;
	s20 =	sadd.s32 s14, s31;
	s2 =	sshrl.u32 s2, $0x2  }
0xba: {  	s11 =	smul.u32 $0x104, s17;
	s24 =	sadd.s32 $0xD0, s10;
	s15 =	sand.u32 $0xF8, s30  }
0xbb: {  	s10 =	sadd.s32 $0xF0, s10;
	s2 =	sadd.s32 s2, s1;
	s12 =	sshrl.u32 s12, $0x2  }
0xbc: {  	s13 =	sand.u32 $0xF8, s24;
	s24 =	smul.u32 $0x104, s15;
	s10 =	sand.u32 $0xF8, s10  }
0xbd: {  	s17 =	sadd.s32 s14, s2;
	s18 =	sadd.s32 s12, s1;
	s13 =	smul.u32 $0x104, s13  }
0xbe: {  	s11 =	sshrl.u32 s11, $0x2;
	s12 =	sand.u32 $0xF8, s19;
	s10 =	smul.u32 $0x104, s10  }
0xbf: {  	s12 =	smul.u32 $0x104, s12;
	s11 =	sadd.s32 s11, s1;
	s18 =	sadd.s32 s14, s18  }
0xc0: {  	s0 =	sshrl.u32 s24, $0x2;
	s15 =	sadd.s32 s14, s11;
	s31 =	sshrl.u32 s13, $0x2  }
0xc1: {  	s10 =	sshrl.u32 s10, $0x2;
	s11 =	sadd.s32 s0, s1;
	s12 =	sshrl.u32 s12, $0x2  }
0xc2: {  	s2 =	sadd.s32 s31, s1;
	s10 =	sadd.s32 s10, s1;
	s12 =	sadd.s32 s12, s1  }
0xc3: {  	s13 =	sadd.s32 s14, s11;
	s11 =	sand.u32 $0x3800, s29;
	s19 =	sadd.s32 s14, s12  }
0xc4: {  	s12 =	sadd.s32 s14, s2;
	s14 =	sadd.s32 s14, s10;
	s10 =	sand.u32 $0x3C00, s16  }
0xc5: {  	s4 =	sand.u32 $0x380, s9;
	s30 =	sadd.s32 s11, s28;
	s2 =	sadd.s32 s10, s28  }
0xc6: {  	s6 =	sand.u32 $0x80, s9;
	s31 =	sadd.s32 s4, s30;
	s24 =	sadd.s32 s5, s2  }
0xc7: {  	v2 =	vld.idx.msk [tilespmem:v0+s31+$0x0 ss:$0x1], $0xffff;
	s10 =	sadd.s32 s6, s24;
	s24 =	sadd.s32 s5, s30  }
0xc8: {  	v1 =	vld.idx.msk [tilespmem:v0+s10+$0x70 ss:$0x1], $0xffff;
	s0 =	sadd.s32 s6, s24  }
0xc9: {  	v3 =	vld.idx.msk [tilespmem:v0+s0+$0x70 ss:$0x1], $0xffff  }
0xca: {  	v7 =	vld.idx.msk [tilespmem:v0+s0+$0x10 ss:$0x1], $0xffff  }
0xcb: {  	v8 =	vld.idx.msk [tilespmem:v0+s0+$0x20 ss:$0x1], $0xffff  }
0xcc: {  	s30 =	rddreg [dreg:$0x3];
	v9 =	vld.idx.msk [tilespmem:v0+s0+$0x30 ss:$0x1], $0xffff  }
0xcd: {  	p2 =	sgt.s32 s27, $0x100;
	s31 =	rddreg [dreg:$0x4];
	v5 =	vld.idx.msk [tilespmem:v0+s0+$0x40 ss:$0x1], $0xffff;
	[tilespmem:s30+$0x0 ss:$0x41] =	vst.msk $0xffff, v2  }
.Ltmp10:
0xce: {  	v6 =	vld.idx.msk [tilespmem:v0+s0+$0x50 ss:$0x1], $0xffff;
	[tilespmem:s14+$0x0 ss:$0x41] =	vst.msk $0xffff, v1;
	(pc) =	sbr.rel @!p2 .LBB1_10-.Ltmp10, $4  }
0xcf: {  	v4 =	vld.idx.msk [tilespmem:v0+s0+$0x60 ss:$0x1], $0xffff;
	s24 =	rddreg [dreg:$0x5];
	[tilespmem:s20+$0x0 ss:$0x41] =	vst.msk $0xffff, v3  }
0xd0: {  	v2 =	vld.idx.msk [tilespmem:v0+s10+$0x10 ss:$0x1], $0xffff;
	[tilespmem:s31+$0x0 ss:$0x41] =	vst.msk $0xffff, v7  }
0xd1: {  	s16 =	sadd.s32 $0x800, s16;
	v1 =	vld.idx.msk [tilespmem:v0+s10+$0x20 ss:$0x1], $0xffff;
	[tilespmem:s3+$0x0 ss:$0x41] =	vst.msk $0xffff, v9  }
0xd2: {  	s11 =	sadd.s32 s4, s2;
	s2 =	smov.u32 s29;
	v3 =	vld.idx.msk [tilespmem:v0+s10+$0x30 ss:$0x1], $0xffff;
	[tilespmem:s24+$0x0 ss:$0x41] =	vst.msk $0xffff, v8;
	s24 =	simm.s32 $0x100  }
.LBB1_9:
0xd3: {  	s31 =	sand.u32 $0x3C00, s16;
	v7 =	vld.idx.msk [tilespmem:v0+s11+$0x0 ss:$0x1], $0xffff;
	[tilespmem:s7+$0x0 ss:$0x41] =	vst.msk $0xffff, v5  }
0xd4: {  	s2 =	sadd.s32 $0x800, s2;
	s31 =	sadd.s32 s31, s28;
	v5 =	vld.idx.msk [tilespmem:v0+s10+$0x40 ss:$0x1], $0xffff;
	[tilespmem:s23+$0x0 ss:$0x41] =	vst.msk $0xffff, v6  }
0xd5: {  	s30 =	sand.u32 $0x3800, s2;
	s0 =	sadd.s32 s5, s31;
	v6 =	vld.idx.msk [tilespmem:v0+s10+$0x50 ss:$0x1], $0xffff;
	[tilespmem:s21+$0x0 ss:$0x41] =	vst.msk $0xffff, v4  }
0xd6: {  	s30 =	sadd.s32 s30, s28;
	v4 =	vld.idx.msk [tilespmem:v0+s10+$0x60 ss:$0x1], $0xffff;
	s10 =	sadd.s32 s6, s0;
	[tilespmem:s17+$0x0 ss:$0x41] =	vst.msk $0xffff, v2  }
0xd7: {  	s0 =	sadd.s32 s4, s30;
	s30 =	sadd.s32 s5, s30;
	[tilespmem:s18+$0x0 ss:$0x41] =	vst.msk $0xffff, v1;
	v2 =	vld.idx.msk [tilespmem:v0+s10+$0x70 ss:$0x1], $0xffff  }
0xd8: {  	[tilespmem:s15+$0x0 ss:$0x41] =	vst.msk $0xffff, v3;
	v1 =	vld.idx.msk [tilespmem:v0+s0+$0x0 ss:$0x1], $0xffff;
	s0 =	sadd.s32 s6, s30  }
0xd9: {  	[tilespmem:s22+$0x0 ss:$0x41] =	vst.msk $0xffff, v7;
	v3 =	vld.idx.msk [tilespmem:v0+s0+$0x70 ss:$0x1], $0xffff  }
0xda: {  	v8 =	vld.idx.msk [tilespmem:v0+s0+$0x10 ss:$0x1], $0xffff;
	[tilespmem:s19+$0x0 ss:$0x41] =	vst.msk $0xffff, v5  }
0xdb: {  	v9 =	vld.idx.msk [tilespmem:v0+s0+$0x20 ss:$0x1], $0xffff;
	[tilespmem:s12+$0x0 ss:$0x41] =	vst.msk $0xffff, v6  }
0xdc: {  	s24 =	sadd.s32 $0x100, s24;
	v10 =	vld.idx.msk [tilespmem:v0+s0+$0x30 ss:$0x1], $0xffff;
	[tilespmem:s13+$0x0 ss:$0x41] =	vst.msk $0xffff, v4  }
0xdd: {  	p2 =	slt.s32 s24, s27;
	s30 =	rddreg [dreg:$0x3];
	v5 =	vld.idx.msk [tilespmem:v0+s0+$0x40 ss:$0x1], $0xffff;
	[tilespmem:s14+$0x0 ss:$0x41] =	vst.msk $0xffff, v2  }
.Ltmp11:
0xde: {  	v6 =	vld.idx.msk [tilespmem:v0+s0+$0x50 ss:$0x1], $0xffff;
	[tilespmem:s30+$0x0 ss:$0x41] =	vst.msk $0xffff, v1;
	(pc) =	sbr.rel @p2 .LBB1_9-.Ltmp11, $4  }
0xdf: {  	s11 =	sadd.s32 s4, s31;
	s31 =	rddreg [dreg:$0x4];
	v4 =	vld.idx.msk [tilespmem:v0+s0+$0x60 ss:$0x1], $0xffff;
	[tilespmem:s20+$0x0 ss:$0x41] =	vst.msk $0xffff, v3  }
0xe0: {  	s30 =	rddreg [dreg:$0x5];
	v2 =	vld.idx.msk [tilespmem:v0+s10+$0x10 ss:$0x1], $0xffff;
	[tilespmem:s31+$0x0 ss:$0x41] =	vst.msk $0xffff, v8  }
0xe1: {  	v1 =	vld.idx.msk [tilespmem:v0+s10+$0x20 ss:$0x1], $0xffff;
	[tilespmem:s30+$0x0 ss:$0x41] =	vst.msk $0xffff, v9  }
0xe2: {  	s16 =	sadd.s32 $0x800, s16;
	[tilespmem:s3+$0x0 ss:$0x41] =	vst.msk $0xffff, v10;
	v3 =	vld.idx.msk [tilespmem:v0+s10+$0x30 ss:$0x1], $0xffff  }
.LBB1_10:
0xe3: {  	_ =	sdelay $0x2  }
0xe4: {  	[tilespmem:s7+$0x0 ss:$0x41] =	vst.msk $0xffff, v5  }
0xe5: {  	v61 =	vld.idx.msk [tilespmem:v0+s10+$0x40 ss:$0x1], $0xffff;
	[tilespmem:s23+$0x0 ss:$0x41] =	vst.msk $0xffff, v6  }
0xe6: {  	v62 =	vld.idx.msk [tilespmem:v0+s10+$0x50 ss:$0x1], $0xffff;
	[tilespmem:s21+$0x0 ss:$0x41] =	vst.msk $0xffff, v4  }
0xe7: {  	v63 =	vld.idx.msk [tilespmem:v0+s10+$0x60 ss:$0x1], $0xffff;
	[tilespmem:s17+$0x0 ss:$0x41] =	vst.msk $0xffff, v2  }
0xe8: {  	v2 =	vld.idx.msk [tilespmem:v0+s11+$0x0 ss:$0x1], $0xffff;
	[tilespmem:s18+$0x0 ss:$0x41] =	vst.msk $0xffff, v1  }
0xe9: {  	[tilespmem:s15+$0x0 ss:$0x41] =	vst.msk $0xffff, v3  }
0xea: {  	[tilespmem:s19+$0x0 ss:$0x41] =	vst.msk $0xffff, v61  }
0xeb: {  	[tilespmem:s12+$0x0 ss:$0x41] =	vst.msk $0xffff, v62  }
0xec: {  	[tilespmem:s13+$0x0 ss:$0x41] =	vst.msk $0xffff, v63  }
0xed: {  	[tilespmem:s22+$0x0 ss:$0x41] =	vst.msk $0xffff, v2  }
.LBB1_11:
.Ltmp12:
0xee: {  	(pc) =	sbr.rel @p1 .LBB1_14-.Ltmp12, $1  }
0xef: {  	_ =	sdelay $0x3  }
0xf0: {  	s2 =	sshrl.u32 s8, $0x4;
	s3 =	sand.u32 $0x3800, s29;
	s0 =	rddreg [dreg:$0x1c]  }
0xf1: {  	s4 =	sand.u32 $0x300, s9;
	s5 =	sand.u32 $0x80, s9;
	s31 =	rddreg [dreg:$0x1a]  }
0xf2: {  	s6 =	sand.u32 $0x7F, s8;
	s4 =	sadd.s32 s4, s0;
	s3 =	sadd.s32 s3, s31  }
0xf3: {  	s4 =	sadd.s32 s5, s4;
	s5 =	sadd.s32 s6, s1;
	s6 =	smov.u32 s27  }
.LBB1_13:
0xf4: {  	s0 =	sand.u32 $0x3C00, s3  }
0xf5: {  	s7 =	sand.u32 $0x70, s6;
	s30 =	sadd.s32 s6, s2;
	s0 =	sadd.s32 s0, s4  }
0xf6: {  	s6 =	sadd.s32 $0x10, s6;
	s31 =	sand.u32 $0xF8, s30;
	s0 =	sadd.s32 s7, s0  }
0xf7: {  	p2 =	slt.s32 s6, s26;
	v1 =	vld [tilespmem:s0+$0x0];
	s0 =	smul.u32 $0x104, s31  }
.Ltmp13:
0xf8: {  	_ = 	snop;
	(pc) =	sbr.rel @p2 .LBB1_13-.Ltmp13, $4  }
0xf9: {  	_ = 	snop  }
0xfa: {  	s0 =	sshrl.u32 s0, $0x2  }
0xfb: {  	s0 =	sadd.s32 s0, s5  }
0xfc: {  	s3 =	sadd.s32 $0x80, s3;
	[tilespmem:s0+$0x0 ss:$0x41] =	vst.msk $0xffff, v1  }
.Ltmp14:
0xfd: {  	_ = 	snop;
	(pc) =	sbr.rel .LBB1_14-.Ltmp14, $1  }
0xfe: {  	_ =	sdelay $0x3  }
.LBB1_18:
0xff: {  	_ =	sfence.sel $0x180000  }
0x100: {  	s0 =	simm.s32 $0x1;
	[bflag:$0x0] =	sbarrier.arrive $0xFFFF  }
0x101: {  	s30 =	simm.s32 $0x2;
	[sflag:s0] =	ssyncpa.u1 $0x1  }
0x102: {  	[sflag:s30] =	ssyncpa.u1 $0x1  }
0x103: {  	_ =	strace $0x90000047  }
0x104: {  	s31 =	stileid.u32;
	[bflag:$0x2] =	sbarrier.arrive $0xFFFF  }
0x105: {  	p0 =	sne.s32 s31, $0x0;
	s0 =	rddreg [dreg:$0x2]  }
0x106: {  	s0 =	sadd.s32 @!p0 $0x100000, s0  }
0x107: {  	[sflag:s0] =	ssyncadd.tile.s32 @!p0 $0x1;
	_ =	shalt  }
.Lfunc_end1:
_tile_overlayer_lowered:
.L_overlay_start_2:
0x108: {  	(tag) =	ssettag $0x2  }
0x109: {  	s0 =	rddreg [dreg:$0x0];
	s2 =	stileid.u32  }
0x10a: {  	s1 =	rddreg [dreg:$0x1];
	p0 =	sne.s32 s2, $0x0  }
0x10b: {  	s3 =	rddreg [dreg:$0x2];
	[bflag:$0x3] =	sbarrier.arrive $0xFFFF;
	s2 =	simm.s32 @!p0 $0x1C01  }
0x10c: {  	[timem:s3], [sflag:s2] =	dma.local @!p0 [hbm:s0], s1  }
0x10d: {  	s0 =	simm.s32 @!p0 $0x1  }
0x10e: {  	_ =	swait.ge @!p0 [sflag:s0], s1  }
0x10f: {  	s1 =	ssub.s32 @!p0 $0x0, s1;
	[sflag:s0] =	ssyncset.done @!p0 $0x0  }
0x110: {  	[sflag:s0] =	ssyncadd.s32 @!p0 s1  }
0x111: {  	[bflag:$0x3] =	sbarrier.arrive $0xFFFF  }
0x112: {  	_ =	shalt  }

</sc_bundles>
